<compile_context>
chip_gen: v7x
topology: tpu7x:2x2x1
jax: 0.10.2.dev20260603
libtpu: 0.0.44.dev20260713+nightly
codegen_flags: <defaults>
</compile_context>

<pallas_src>
import functools

import jax
import jax.numpy as jnp
from jax import lax
from jax.experimental import pallas as pl
from jax.experimental.pallas import tpu as pltpu
from jax.experimental.pallas import tpu_sc as plsc

D = 64
CHUNK = 128
W = 4
GRP = 2
EPS = 1e-5
LN_ROWS = 2048


@functools.lru_cache(maxsize=None)
def _build_gather(n_tok):
    info = plsc.get_sparse_core_info()
    nc, ns = info.num_cores, info.num_subcores
    nw = nc * ns
    per_w = n_tok // nw
    n_l = per_w // (CHUNK * GRP)
    assert n_tok == nw * per_w and per_w == n_l * CHUNK * GRP and n_l % W == 0
    mesh = plsc.VectorSubcoreMesh(core_axis_name="c", subcore_axis_name="s")

    def body(idx_hbm, table_hbm, out_hbm, idx_v, rows_v, sem_g, sem_s):
        wid = lax.axis_index("s") * nc + lax.axis_index("c")
        pltpu.sync_copy(idx_hbm.at[wid], idx_v)
        g = GRP * CHUNK
        t_base = wid * per_w

        def gather_cp(l, b):
            return pltpu.make_async_copy(
                table_hbm.at[idx_v.at[pl.ds(l * g, g)]], rows_v.at[b],
                sem_g.at[b])

        def store_cp(l, b):
            return pltpu.make_async_copy(
                rows_v.at[b], out_hbm.at[pl.ds(t_base + l * g, g)],
                sem_s.at[b])

        for b in range(W - 1):
            gather_cp(b, b).start()

        def loop_body(i, carry):
            for b in range(W):
                l = W * i + b
                gather_cp(l, b).wait()
                store_cp(l, b).start()
                ln = l + W - 1
                bn = (b + W - 1) % W
                if b == 0:
                    @pl.when(i >= 1)
                    def _():
                        store_cp(l - 1, bn).wait()
                    gather_cp(ln, bn).start()
                else:
                    @pl.when(i < n_l // W - 1)
                    def _():
                        store_cp(l - 1, bn).wait()
                        gather_cp(ln, bn).start()
            return carry

        lax.fori_loop(0, n_l // W, loop_body, 0)
        for b in range(W):
            store_cp(n_l - W + b, b).wait()

    return pl.kernel(
        body,
        out_type=jax.ShapeDtypeStruct((n_tok, D), jnp.float32),
        mesh=mesh,
        compiler_params=pltpu.CompilerParams(
            needs_layout_passes=False, use_tc_tiling_on_sc=False
        ),
        scratch_types=[
            pltpu.VMEM((per_w,), jnp.int32),
            pltpu.VMEM((W, GRP * CHUNK, D), jnp.float32),
            pltpu.SemaphoreType.DMA((W,)),
            pltpu.SemaphoreType.DMA((W,)),
        ],
    )


def _ln_body(g2_ref, b2_ref, x_ref, o_ref):
    x = x_ref[...]
    xa = x[:, :D]
    xb = x[:, D:]
    ma = jnp.sum(xa, axis=1, keepdims=True) * (1.0 / D)
    mb = jnp.sum(xb, axis=1, keepdims=True) * (1.0 / D)
    va = jnp.sum(xa * xa, axis=1, keepdims=True) * (1.0 / D) - ma * ma
    vb = jnp.sum(xb * xb, axis=1, keepdims=True) * (1.0 / D) - mb * mb
    ia = lax.rsqrt(va + EPS)
    ib = lax.rsqrt(vb + EPS)
    n = x.shape[0]
    scale = jnp.concatenate(
        [jnp.broadcast_to(ia, (n, D)), jnp.broadcast_to(ib, (n, D))], axis=1)
    shift = jnp.concatenate(
        [jnp.broadcast_to(ma, (n, D)), jnp.broadcast_to(mb, (n, D))], axis=1)
    o_ref[...] = (x - shift) * scale * g2_ref[...] + b2_ref[...]


@functools.lru_cache(maxsize=None)
def _build_ln(n_rows):
    assert n_rows % LN_ROWS == 0
    return pl.pallas_call(
        _ln_body,
        grid=(n_rows // LN_ROWS,),
        in_specs=[
            pl.BlockSpec((1, 2 * D), lambda i: (0, 0)),
            pl.BlockSpec((1, 2 * D), lambda i: (0, 0)),
            pl.BlockSpec((LN_ROWS, 2 * D), lambda i: (i, 0)),
        ],
        out_specs=pl.BlockSpec((LN_ROWS, 2 * D), lambda i: (i, 0)),
        out_shape=jax.ShapeDtypeStruct((n_rows, 2 * D), jnp.float32),
    )


def kernel(x, table, gamma, beta):
    n_b, n_l = x.shape
    idx = x.reshape(-1)
    if idx.dtype != jnp.int32:
        idx = idx.astype(jnp.int32)
    idx2 = idx.reshape(32, -1)
    gathered = _build_gather(idx.size)(idx2, table)
    paired = gathered.reshape(idx.size // 2, 2 * D)
    g2 = jnp.tile(gamma, 2).reshape(1, 2 * D)
    b2 = jnp.tile(beta, 2).reshape(1, 2 * D)
    y = _build_ln(idx.size // 2)(g2, b2, paired)
    return y.reshape(n_b, n_l, D)

# --- scband reference (transcript-rebuilt; emitter-appended) ---
"""Pipeline reference for scband-gene-encoder-86681029968495 (READ-ONLY COPY).

The authoritative reference and input builder live on the scoring server;
editing this copy changes nothing except your own understanding.
"""

import jax, jax.numpy as jnp
import numpy as np

NUM_EMB = 1000000
EMB_DIM = 64
B, L = 4096, 200

def setup_inputs(seed: int = 0) -> dict:
    key = jax.random.key(seed)
    k1, k2, k3 = jax.random.split(key, 3)
    x = jax.random.randint(k1, (B, L), 0, NUM_EMB, dtype=jnp.int64) if jax.config.jax_enable_x64 else jax.random.randint(k1, (B, L), 0, NUM_EMB, dtype=jnp.int32)
    table = jax.random.normal(k2, (NUM_EMB, EMB_DIM), dtype=jnp.float32)
    gamma = jnp.ones((EMB_DIM,), dtype=jnp.float32)
    beta = jnp.zeros((EMB_DIM,), dtype=jnp.float32)
    return {"x": x, "table": table, "gamma": gamma, "beta": beta}

def reference(x, table, gamma, beta):
    # Embedding lookup (gather rows of table)
    e = jnp.take(table, x, axis=0)  # [B, L, EMB_DIM]
    # LayerNorm over last dim, eps matches torch default 1e-5
    mean = jnp.mean(e, axis=-1, keepdims=True)
    var = jnp.mean(jnp.square(e - mean), axis=-1, keepdims=True)
    normed = (e - mean) / jnp.sqrt(var + 1e-5)
    return normed * gamma + beta

if __name__ == "__main__":
    import jax
    _d = setup_inputs()
    print(jax.jit(kernel)(*tuple(_d.values())))

</pallas_src>

<mosaic_0001>
#map = affine_map<(d0, d1) -> (0, 0)>
module attributes {stable_mosaic.version = 14 : i64} {
  func.func @body(%arg0: i32, %arg1: i32, %arg2: memref<32x25600xi32, #tpu.memory_space<hbm>>, %arg3: memref<1000000x64xf32, #tpu.memory_space<hbm>>, %arg4: memref<819200x64xf32, #tpu.memory_space<hbm>>, %arg5: memref<25600xi32, #tpu.memory_space<vmem>>, %arg6: memref<4x256x64xf32, #tpu.memory_space<vmem>>, %arg7: memref<4x!tpu.dma_semaphore, #tpu.memory_space<semaphore_mem>>, %arg8: memref<4x!tpu.dma_semaphore, #tpu.memory_space<semaphore_mem>>) attributes {dimension_semantics = [#tpu.dimension_semantics<core_parallel>, #tpu.dimension_semantics<subcore_parallel>], iteration_bounds = array<i64: 2, 16>, scalar_prefetch = 0 : i64, scratch_operands = 4 : i64, tpu.core_type = #tpu.core_type<sc_vector_subcore>, window_params = [{transform_indices = #map}, {transform_indices = #map}, {transform_indices = #map}]} {
    %mul3A = arith.constant 2 : i32
    %mul3A_0 = arith.muli %arg1, %mul3A : i32
    %add3A = arith.addi %mul3A_0, %arg0 : i32
    "tpu.region"() ({
      %run_scoped3A = tpu.sem_alloc : memref<!tpu.dma_semaphore, #tpu.memory_space<semaphore_mem>>
      %dma_start3A_117 = arith.constant 0 : i32
      %dma_start3A_118 = tpu.memref_slice %arg2[%add3A, %dma_start3A_117] : memref<32x25600xi32, #tpu.memory_space<hbm>> -> memref<1x25600xi32, #tpu.memory_space<hbm>>
      %dma_start3A_119 = tpu.memref_squeeze %dma_start3A_118 : memref<1x25600xi32, #tpu.memory_space<hbm>> -> memref<25600xi32, #tpu.memory_space<hbm>>
      %dma_start3A_120 = arith.constant 0 : i32
      %dma_start3A_121 = tpu.memref_slice %arg2[%add3A, %dma_start3A_120] : memref<32x25600xi32, #tpu.memory_space<hbm>> -> memref<1x25600xi32, #tpu.memory_space<hbm>>
      %dma_start3A_122 = tpu.memref_squeeze %dma_start3A_121 : memref<1x25600xi32, #tpu.memory_space<hbm>> -> memref<25600xi32, #tpu.memory_space<hbm>>
      tpu.enqueue_dma source(%dma_start3A_122 : memref<25600xi32, #tpu.memory_space<hbm>>) target(%arg5 : memref<25600xi32, #tpu.memory_space<vmem>>) target_semaphore(%run_scoped3A : memref<!tpu.dma_semaphore, #tpu.memory_space<semaphore_mem>>)
      %dma_wait3A_123 = arith.constant 0 : i32
      %dma_wait3A_124 = tpu.memref_slice %arg2[%add3A, %dma_wait3A_123] : memref<32x25600xi32, #tpu.memory_space<hbm>> -> memref<1x25600xi32, #tpu.memory_space<hbm>>
      %dma_wait3A_125 = tpu.memref_squeeze %dma_wait3A_124 : memref<1x25600xi32, #tpu.memory_space<hbm>> -> memref<25600xi32, #tpu.memory_space<hbm>>
      %dma_wait3A_126 = arith.constant 0 : i32
      %dma_wait3A_127 = tpu.memref_slice %arg2[%add3A, %dma_wait3A_126] : memref<32x25600xi32, #tpu.memory_space<hbm>> -> memref<1x25600xi32, #tpu.memory_space<hbm>>
      %dma_wait3A_128 = tpu.memref_squeeze %dma_wait3A_127 : memref<1x25600xi32, #tpu.memory_space<hbm>> -> memref<25600xi32, #tpu.memory_space<hbm>>
      tpu.wait_dma2 semaphore(%run_scoped3A : memref<!tpu.dma_semaphore, #tpu.memory_space<semaphore_mem>>) src(%dma_wait3A_128 : memref<25600xi32, #tpu.memory_space<hbm>>) dst(%arg5 : memref<25600xi32, #tpu.memory_space<vmem>>)
      tpu.yield
    }) : () -> ()
    %mul3A_1 = arith.constant 25600 : i32
    %mul3A_2 = arith.muli %add3A, %mul3A_1 : i32
    %dma_start3A = arith.constant 0 : i32
    %dma_start3A_3 = arith.constant 0 : i32
    %dma_start3A_4 = arith.constant 0 : i32
    %dma_start3A_5 = arith.constant 0 : i32
    %dma_start3A_6 = tpu.memref_slice %arg6[%dma_start3A, %dma_start3A_4, %dma_start3A_5] : memref<4x256x64xf32, #tpu.memory_space<vmem>> -> memref<1x256x64xf32, #tpu.memory_space<vmem>>
    %dma_start3A_7 = tpu.memref_squeeze %dma_start3A_6 : memref<1x256x64xf32, #tpu.memory_space<vmem>> -> memref<256x64xf32, #tpu.memory_space<vmem>>
    %dma_start3A_8 = arith.constant 0 : i32
    %dma_start3A_9 = tpu.memref_slice %arg5[%dma_start3A_8] : memref<25600xi32, #tpu.memory_space<vmem>> -> memref<256xi32, #tpu.memory_space<vmem>>
    %dma_start3A_10 = arith.constant 0 : i32
    %dma_start3A_11 = arith.constant 0 : i32
    %dma_start3A_12 = tpu.memref_slice %arg3[%dma_start3A_10, %dma_start3A_11] : memref<1000000x64xf32, #tpu.memory_space<hbm>> -> memref<1000000x64xf32, #tpu.memory_space<hbm>>
    %dma_start3A_13 = tpu.memref_slice %arg7[%dma_start3A_3] : memref<4x!tpu.dma_semaphore, #tpu.memory_space<semaphore_mem>> -> memref<1x!tpu.dma_semaphore, #tpu.memory_space<semaphore_mem>>
    %dma_start3A_14 = tpu.memref_squeeze %dma_start3A_13 : memref<1x!tpu.dma_semaphore, #tpu.memory_space<semaphore_mem>> -> memref<!tpu.dma_semaphore, #tpu.memory_space<semaphore_mem>>
    tpu.enqueue_indirect_dma source(%dma_start3A_12 : memref<1000000x64xf32, #tpu.memory_space<hbm>>) target(%dma_start3A_7 : memref<256x64xf32, #tpu.memory_space<vmem>>) offsets(%dma_start3A_9 : memref<256xi32, #tpu.memory_space<vmem>>) semaphore(%dma_start3A_14 : memref<!tpu.dma_semaphore, #tpu.memory_space<semaphore_mem>>)
    %dma_start3A_15 = arith.constant 1 : i32
    %dma_start3A_16 = arith.constant 1 : i32
    %dma_start3A_17 = arith.constant 0 : i32
    %dma_start3A_18 = arith.constant 0 : i32
    %dma_start3A_19 = tpu.memref_slice %arg6[%dma_start3A_15, %dma_start3A_17, %dma_start3A_18] : memref<4x256x64xf32, #tpu.memory_space<vmem>> -> memref<1x256x64xf32, #tpu.memory_space<vmem>>
    %dma_start3A_20 = tpu.memref_squeeze %dma_start3A_19 : memref<1x256x64xf32, #tpu.memory_space<vmem>> -> memref<256x64xf32, #tpu.memory_space<vmem>>
    %dma_start3A_21 = arith.constant 256 : i32
    %dma_start3A_22 = tpu.memref_slice %arg5[%dma_start3A_21] : memref<25600xi32, #tpu.memory_space<vmem>> -> memref<256xi32, #tpu.memory_space<vmem>>
    %dma_start3A_23 = arith.constant 0 : i32
    %dma_start3A_24 = arith.constant 0 : i32
    %dma_start3A_25 = tpu.memref_slice %arg3[%dma_start3A_23, %dma_start3A_24] : memref<1000000x64xf32, #tpu.memory_space<hbm>> -> memref<1000000x64xf32, #tpu.memory_space<hbm>>
    %dma_start3A_26 = tpu.memref_slice %arg7[%dma_start3A_16] : memref<4x!tpu.dma_semaphore, #tpu.memory_space<semaphore_mem>> -> memref<1x!tpu.dma_semaphore, #tpu.memory_space<semaphore_mem>>
    %dma_start3A_27 = tpu.memref_squeeze %dma_start3A_26 : memref<1x!tpu.dma_semaphore, #tpu.memory_space<semaphore_mem>> -> memref<!tpu.dma_semaphore, #tpu.memory_space<semaphore_mem>>
    tpu.enqueue_indirect_dma source(%dma_start3A_25 : memref<1000000x64xf32, #tpu.memory_space<hbm>>) target(%dma_start3A_20 : memref<256x64xf32, #tpu.memory_space<vmem>>) offsets(%dma_start3A_22 : memref<256xi32, #tpu.memory_space<vmem>>) semaphore(%dma_start3A_27 : memref<!tpu.dma_semaphore, #tpu.memory_space<semaphore_mem>>)
    %dma_start3A_28 = arith.constant 2 : i32
    %dma_start3A_29 = arith.constant 2 : i32
    %dma_start3A_30 = arith.constant 0 : i32
    %dma_start3A_31 = arith.constant 0 : i32
    %dma_start3A_32 = tpu.memref_slice %arg6[%dma_start3A_28, %dma_start3A_30, %dma_start3A_31] : memref<4x256x64xf32, #tpu.memory_space<vmem>> -> memref<1x256x64xf32, #tpu.memory_space<vmem>>
    %dma_start3A_33 = tpu.memref_squeeze %dma_start3A_32 : memref<1x256x64xf32, #tpu.memory_space<vmem>> -> memref<256x64xf32, #tpu.memory_space<vmem>>
    %dma_start3A_34 = arith.constant 512 : i32
    %dma_start3A_35 = tpu.memref_slice %arg5[%dma_start3A_34] : memref<25600xi32, #tpu.memory_space<vmem>> -> memref<256xi32, #tpu.memory_space<vmem>>
    %dma_start3A_36 = arith.constant 0 : i32
    %dma_start3A_37 = arith.constant 0 : i32
    %dma_start3A_38 = tpu.memref_slice %arg3[%dma_start3A_36, %dma_start3A_37] : memref<1000000x64xf32, #tpu.memory_space<hbm>> -> memref<1000000x64xf32, #tpu.memory_space<hbm>>
    %dma_start3A_39 = tpu.memref_slice %arg7[%dma_start3A_29] : memref<4x!tpu.dma_semaphore, #tpu.memory_space<semaphore_mem>> -> memref<1x!tpu.dma_semaphore, #tpu.memory_space<semaphore_mem>>
    %dma_start3A_40 = tpu.memref_squeeze %dma_start3A_39 : memref<1x!tpu.dma_semaphore, #tpu.memory_space<semaphore_mem>> -> memref<!tpu.dma_semaphore, #tpu.memory_space<semaphore_mem>>
    tpu.enqueue_indirect_dma source(%dma_start3A_38 : memref<1000000x64xf32, #tpu.memory_space<hbm>>) target(%dma_start3A_33 : memref<256x64xf32, #tpu.memory_space<vmem>>) offsets(%dma_start3A_35 : memref<256xi32, #tpu.memory_space<vmem>>) semaphore(%dma_start3A_40 : memref<!tpu.dma_semaphore, #tpu.memory_space<semaphore_mem>>)
    %scan3A = arith.constant 0 : i32
    %scan3A_41 = arith.constant 0 : i32
    %scan3A_42 = arith.constant 25 : i32
    %scan3A_43 = arith.addi %scan3A_41, %scan3A_42 : i32
    %scan3A_44 = arith.constant 1 : i32
    scf.for %scan3A_117 = %scan3A_41 to %scan3A_43 step %scan3A_44  : i32 {
      %mul3A_118 = arith.constant 4 : i32
      %mul3A_119 = arith.muli %mul3A_118, %scan3A_117 : i32
      %add3A_120 = arith.constant 0 : i32
      %add3A_121 = arith.addi %mul3A_119, %add3A_120 : i32
      %mul3A_122 = arith.constant 256 : i32
      %mul3A_123 = arith.muli %add3A_121, %mul3A_122 : i32
      %dma_wait3A_124 = arith.constant 0 : i32
      %dma_wait3A_125 = arith.constant 0 : i32
      %dma_wait3A_126 = arith.constant 0 : i32
      %dma_wait3A_127 = arith.constant 0 : i32
      %dma_wait3A_128 = tpu.memref_slice %arg6[%dma_wait3A_124, %dma_wait3A_126, %dma_wait3A_127] : memref<4x256x64xf32, #tpu.memory_space<vmem>> -> memref<1x256x64xf32, #tpu.memory_space<vmem>>
      %dma_wait3A_129 = tpu.memref_squeeze %dma_wait3A_128 : memref<1x256x64xf32, #tpu.memory_space<vmem>> -> memref<256x64xf32, #tpu.memory_space<vmem>>
      %dma_wait3A_130 = tpu.memref_slice %arg5[%mul3A_123] : memref<25600xi32, #tpu.memory_space<vmem>> -> memref<256xi32, #tpu.memory_space<vmem>>
      %dma_wait3A_131 = arith.constant 0 : i32
      %dma_wait3A_132 = arith.constant 0 : i32
      %dma_wait3A_133 = tpu.memref_slice %arg3[%dma_wait3A_131, %dma_wait3A_132] : memref<1000000x64xf32, #tpu.memory_space<hbm>> -> memref<1000000x64xf32, #tpu.memory_space<hbm>>
      %dma_wait3A_134 = tpu.memref_slice %arg7[%dma_wait3A_125] : memref<4x!tpu.dma_semaphore, #tpu.memory_space<semaphore_mem>> -> memref<1x!tpu.dma_semaphore, #tpu.memory_space<semaphore_mem>>
      %dma_wait3A_135 = tpu.memref_squeeze %dma_wait3A_134 : memref<1x!tpu.dma_semaphore, #tpu.memory_space<semaphore_mem>> -> memref<!tpu.dma_semaphore, #tpu.memory_space<semaphore_mem>>
      tpu.wait_indirect_dma semaphore(%dma_wait3A_135 : memref<!tpu.dma_semaphore, #tpu.memory_space<semaphore_mem>>) src(%dma_wait3A_133 : memref<1000000x64xf32, #tpu.memory_space<hbm>>) dst(%dma_wait3A_129 : memref<256x64xf32, #tpu.memory_space<vmem>>)
      %mul3A_136 = arith.constant 256 : i32
      %mul3A_137 = arith.muli %add3A_121, %mul3A_136 : i32
      %add3A_138 = arith.addi %mul3A_2, %mul3A_137 : i32
      %dma_start3A_139 = arith.constant 0 : i32
      %dma_start3A_140 = arith.constant 0 : i32
      %dma_start3A_141 = arith.constant 0 : i32
      %dma_start3A_142 = arith.constant 0 : i32
      %dma_start3A_143 = tpu.memref_slice %arg6[%dma_start3A_139, %dma_start3A_141, %dma_start3A_142] : memref<4x256x64xf32, #tpu.memory_space<vmem>> -> memref<1x256x64xf32, #tpu.memory_space<vmem>>
      %dma_start3A_144 = tpu.memref_squeeze %dma_start3A_143 : memref<1x256x64xf32, #tpu.memory_space<vmem>> -> memref<256x64xf32, #tpu.memory_space<vmem>>
      %dma_start3A_145 = arith.constant 0 : i32
      %dma_start3A_146 = tpu.memref_slice %arg4[%add3A_138, %dma_start3A_145] : memref<819200x64xf32, #tpu.memory_space<hbm>> -> memref<256x64xf32, #tpu.memory_space<hbm>>
      %dma_start3A_147 = tpu.memref_slice %arg8[%dma_start3A_140] : memref<4x!tpu.dma_semaphore, #tpu.memory_space<semaphore_mem>> -> memref<1x!tpu.dma_semaphore, #tpu.memory_space<semaphore_mem>>
      %dma_start3A_148 = tpu.memref_squeeze %dma_start3A_147 : memref<1x!tpu.dma_semaphore, #tpu.memory_space<semaphore_mem>> -> memref<!tpu.dma_semaphore, #tpu.memory_space<semaphore_mem>>
      %dma_start3A_149 = arith.constant 0 : i32
      %dma_start3A_150 = tpu.memref_slice %arg4[%add3A_138, %dma_start3A_149] : memref<819200x64xf32, #tpu.memory_space<hbm>> -> memref<256x64xf32, #tpu.memory_space<hbm>>
      %dma_start3A_151 = arith.constant 0 : i32
      %dma_start3A_152 = arith.constant 0 : i32
      %dma_start3A_153 = tpu.memref_slice %arg6[%dma_start3A_139, %dma_start3A_151, %dma_start3A_152] : memref<4x256x64xf32, #tpu.memory_space<vmem>> -> memref<1x256x64xf32, #tpu.memory_space<vmem>>
      %dma_start3A_154 = tpu.memref_squeeze %dma_start3A_153 : memref<1x256x64xf32, #tpu.memory_space<vmem>> -> memref<256x64xf32, #tpu.memory_space<vmem>>
      tpu.enqueue_dma source(%dma_start3A_154 : memref<256x64xf32, #tpu.memory_space<vmem>>) target(%dma_start3A_150 : memref<256x64xf32, #tpu.memory_space<hbm>>) target_semaphore(%dma_start3A_148 : memref<!tpu.dma_semaphore, #tpu.memory_space<semaphore_mem>>)
      %add3A_155 = arith.constant 4 : i32
      %add3A_156 = arith.addi %add3A_121, %add3A_155 : i32
      %sub3A = arith.constant 1 : i32
      %sub3A_157 = arith.subi %add3A_156, %sub3A : i32
      %ge3A = arith.constant 1 : i32
      %ge3A_158 = arith.cmpi sge, %scan3A_117, %ge3A : i32
      %convert_element_type3A = arith.extui %ge3A_158 : i1 to i32
      %cond3A = arith.constant 0 : i32
      %cond3A_159 = arith.cmpi ne, %convert_element_type3A, %cond3A : i32
      scf.if %cond3A_159 {
        %sub3A_311 = arith.constant 1 : i32
        %sub3A_312 = arith.subi %add3A_121, %sub3A_311 : i32
        %mul3A_313 = arith.constant 256 : i32
        %mul3A_314 = arith.muli %sub3A_312, %mul3A_313 : i32
        %add3A_315 = arith.addi %mul3A_2, %mul3A_314 : i32
        %dma_wait3A_316 = arith.constant 3 : i32
        %dma_wait3A_317 = arith.constant 3 : i32
        %dma_wait3A_318 = arith.constant 0 : i32
        %dma_wait3A_319 = arith.constant 0 : i32
        %dma_wait3A_320 = tpu.memref_slice %arg6[%dma_wait3A_316, %dma_wait3A_318, %dma_wait3A_319] : memref<4x256x64xf32, #tpu.memory_space<vmem>> -> memref<1x256x64xf32, #tpu.memory_space<vmem>>
        %dma_wait3A_321 = tpu.memref_squeeze %dma_wait3A_320 : memref<1x256x64xf32, #tpu.memory_space<vmem>> -> memref<256x64xf32, #tpu.memory_space<vmem>>
        %dma_wait3A_322 = arith.constant 0 : i32
        %dma_wait3A_323 = tpu.memref_slice %arg4[%add3A_315, %dma_wait3A_322] : memref<819200x64xf32, #tpu.memory_space<hbm>> -> memref<256x64xf32, #tpu.memory_space<hbm>>
        %dma_wait3A_324 = tpu.memref_slice %arg8[%dma_wait3A_317] : memref<4x!tpu.dma_semaphore, #tpu.memory_space<semaphore_mem>> -> memref<1x!tpu.dma_semaphore, #tpu.memory_space<semaphore_mem>>
        %dma_wait3A_325 = tpu.memref_squeeze %dma_wait3A_324 : memref<1x!tpu.dma_semaphore, #tpu.memory_space<semaphore_mem>> -> memref<!tpu.dma_semaphore, #tpu.memory_space<semaphore_mem>>
        %dma_wait3A_326 = arith.constant 0 : i32
        %dma_wait3A_327 = tpu.memref_slice %arg4[%add3A_315, %dma_wait3A_326] : memref<819200x64xf32, #tpu.memory_space<hbm>> -> memref<256x64xf32, #tpu.memory_space<hbm>>
        %dma_wait3A_328 = arith.constant 0 : i32
        %dma_wait3A_329 = arith.constant 0 : i32
        %dma_wait3A_330 = tpu.memref_slice %arg6[%dma_wait3A_316, %dma_wait3A_328, %dma_wait3A_329] : memref<4x256x64xf32, #tpu.memory_space<vmem>> -> memref<1x256x64xf32, #tpu.memory_space<vmem>>
        %dma_wait3A_331 = tpu.memref_squeeze %dma_wait3A_330 : memref<1x256x64xf32, #tpu.memory_space<vmem>> -> memref<256x64xf32, #tpu.memory_space<vmem>>
        tpu.wait_dma2 semaphore(%dma_wait3A_325 : memref<!tpu.dma_semaphore, #tpu.memory_space<semaphore_mem>>) src(%dma_wait3A_331 : memref<256x64xf32, #tpu.memory_space<vmem>>) dst(%dma_wait3A_327 : memref<256x64xf32, #tpu.memory_space<hbm>>)
      } else {
      }
      %mul3A_160 = arith.constant 256 : i32
      %mul3A_161 = arith.muli %sub3A_157, %mul3A_160 : i32
      %dma_start3A_162 = arith.constant 3 : i32
      %dma_start3A_163 = arith.constant 3 : i32
      %dma_start3A_164 = arith.constant 0 : i32
      %dma_start3A_165 = arith.constant 0 : i32
      %dma_start3A_166 = tpu.memref_slice %arg6[%dma_start3A_162, %dma_start3A_164, %dma_start3A_165] : memref<4x256x64xf32, #tpu.memory_space<vmem>> -> memref<1x256x64xf32, #tpu.memory_space<vmem>>
      %dma_start3A_167 = tpu.memref_squeeze %dma_start3A_166 : memref<1x256x64xf32, #tpu.memory_space<vmem>> -> memref<256x64xf32, #tpu.memory_space<vmem>>
      %dma_start3A_168 = tpu.memref_slice %arg5[%mul3A_161] : memref<25600xi32, #tpu.memory_space<vmem>> -> memref<256xi32, #tpu.memory_space<vmem>>
      %dma_start3A_169 = arith.constant 0 : i32
      %dma_start3A_170 = arith.constant 0 : i32
      %dma_start3A_171 = tpu.memref_slice %arg3[%dma_start3A_169, %dma_start3A_170] : memref<1000000x64xf32, #tpu.memory_space<hbm>> -> memref<1000000x64xf32, #tpu.memory_space<hbm>>
      %dma_start3A_172 = tpu.memref_slice %arg7[%dma_start3A_163] : memref<4x!tpu.dma_semaphore, #tpu.memory_space<semaphore_mem>> -> memref<1x!tpu.dma_semaphore, #tpu.memory_space<semaphore_mem>>
      %dma_start3A_173 = tpu.memref_squeeze %dma_start3A_172 : memref<1x!tpu.dma_semaphore, #tpu.memory_space<semaphore_mem>> -> memref<!tpu.dma_semaphore, #tpu.memory_space<semaphore_mem>>
      tpu.enqueue_indirect_dma source(%dma_start3A_171 : memref<1000000x64xf32, #tpu.memory_space<hbm>>) target(%dma_start3A_167 : memref<256x64xf32, #tpu.memory_space<vmem>>) offsets(%dma_start3A_168 : memref<256xi32, #tpu.memory_space<vmem>>) semaphore(%dma_start3A_173 : memref<!tpu.dma_semaphore, #tpu.memory_space<semaphore_mem>>)
      %mul3A_174 = arith.constant 4 : i32
      %mul3A_175 = arith.muli %mul3A_174, %scan3A_117 : i32
      %add3A_176 = arith.constant 1 : i32
      %add3A_177 = arith.addi %mul3A_175, %add3A_176 : i32
      %mul3A_178 = arith.constant 256 : i32
      %mul3A_179 = arith.muli %add3A_177, %mul3A_178 : i32
      %dma_wait3A_180 = arith.constant 1 : i32
      %dma_wait3A_181 = arith.constant 1 : i32
      %dma_wait3A_182 = arith.constant 0 : i32
      %dma_wait3A_183 = arith.constant 0 : i32
      %dma_wait3A_184 = tpu.memref_slice %arg6[%dma_wait3A_180, %dma_wait3A_182, %dma_wait3A_183] : memref<4x256x64xf32, #tpu.memory_space<vmem>> -> memref<1x256x64xf32, #tpu.memory_space<vmem>>
      %dma_wait3A_185 = tpu.memref_squeeze %dma_wait3A_184 : memref<1x256x64xf32, #tpu.memory_space<vmem>> -> memref<256x64xf32, #tpu.memory_space<vmem>>
      %dma_wait3A_186 = tpu.memref_slice %arg5[%mul3A_179] : memref<25600xi32, #tpu.memory_space<vmem>> -> memref<256xi32, #tpu.memory_space<vmem>>
      %dma_wait3A_187 = arith.constant 0 : i32
      %dma_wait3A_188 = arith.constant 0 : i32
      %dma_wait3A_189 = tpu.memref_slice %arg3[%dma_wait3A_187, %dma_wait3A_188] : memref<1000000x64xf32, #tpu.memory_space<hbm>> -> memref<1000000x64xf32, #tpu.memory_space<hbm>>
      %dma_wait3A_190 = tpu.memref_slice %arg7[%dma_wait3A_181] : memref<4x!tpu.dma_semaphore, #tpu.memory_space<semaphore_mem>> -> memref<1x!tpu.dma_semaphore, #tpu.memory_space<semaphore_mem>>
      %dma_wait3A_191 = tpu.memref_squeeze %dma_wait3A_190 : memref<1x!tpu.dma_semaphore, #tpu.memory_space<semaphore_mem>> -> memref<!tpu.dma_semaphore, #tpu.memory_space<semaphore_mem>>
      tpu.wait_indirect_dma semaphore(%dma_wait3A_191 : memref<!tpu.dma_semaphore, #tpu.memory_space<semaphore_mem>>) src(%dma_wait3A_189 : memref<1000000x64xf32, #tpu.memory_space<hbm>>) dst(%dma_wait3A_185 : memref<256x64xf32, #tpu.memory_space<vmem>>)
      %mul3A_192 = arith.constant 256 : i32
      %mul3A_193 = arith.muli %add3A_177, %mul3A_192 : i32
      %add3A_194 = arith.addi %mul3A_2, %mul3A_193 : i32
      %dma_start3A_195 = arith.constant 1 : i32
      %dma_start3A_196 = arith.constant 1 : i32
      %dma_start3A_197 = arith.constant 0 : i32
      %dma_start3A_198 = arith.constant 0 : i32
      %dma_start3A_199 = tpu.memref_slice %arg6[%dma_start3A_195, %dma_start3A_197, %dma_start3A_198] : memref<4x256x64xf32, #tpu.memory_space<vmem>> -> memref<1x256x64xf32, #tpu.memory_space<vmem>>
      %dma_start3A_200 = tpu.memref_squeeze %dma_start3A_199 : memref<1x256x64xf32, #tpu.memory_space<vmem>> -> memref<256x64xf32, #tpu.memory_space<vmem>>
      %dma_start3A_201 = arith.constant 0 : i32
      %dma_start3A_202 = tpu.memref_slice %arg4[%add3A_194, %dma_start3A_201] : memref<819200x64xf32, #tpu.memory_space<hbm>> -> memref<256x64xf32, #tpu.memory_space<hbm>>
      %dma_start3A_203 = tpu.memref_slice %arg8[%dma_start3A_196] : memref<4x!tpu.dma_semaphore, #tpu.memory_space<semaphore_mem>> -> memref<1x!tpu.dma_semaphore, #tpu.memory_space<semaphore_mem>>
      %dma_start3A_204 = tpu.memref_squeeze %dma_start3A_203 : memref<1x!tpu.dma_semaphore, #tpu.memory_space<semaphore_mem>> -> memref<!tpu.dma_semaphore, #tpu.memory_space<semaphore_mem>>
      %dma_start3A_205 = arith.constant 0 : i32
      %dma_start3A_206 = tpu.memref_slice %arg4[%add3A_194, %dma_start3A_205] : memref<819200x64xf32, #tpu.memory_space<hbm>> -> memref<256x64xf32, #tpu.memory_space<hbm>>
      %dma_start3A_207 = arith.constant 0 : i32
      %dma_start3A_208 = arith.constant 0 : i32
      %dma_start3A_209 = tpu.memref_slice %arg6[%dma_start3A_195, %dma_start3A_207, %dma_start3A_208] : memref<4x256x64xf32, #tpu.memory_space<vmem>> -> memref<1x256x64xf32, #tpu.memory_space<vmem>>
      %dma_start3A_210 = tpu.memref_squeeze %dma_start3A_209 : memref<1x256x64xf32, #tpu.memory_space<vmem>> -> memref<256x64xf32, #tpu.memory_space<vmem>>
      tpu.enqueue_dma source(%dma_start3A_210 : memref<256x64xf32, #tpu.memory_space<vmem>>) target(%dma_start3A_206 : memref<256x64xf32, #tpu.memory_space<hbm>>) target_semaphore(%dma_start3A_204 : memref<!tpu.dma_semaphore, #tpu.memory_space<semaphore_mem>>)
      %add3A_211 = arith.constant 4 : i32
      %add3A_212 = arith.addi %add3A_177, %add3A_211 : i32
      %sub3A_213 = arith.constant 1 : i32
      %sub3A_214 = arith.subi %add3A_212, %sub3A_213 : i32
      %lt3A = arith.constant 24 : i32
      %lt3A_215 = arith.cmpi slt, %scan3A_117, %lt3A : i32
      %convert_element_type3A_216 = arith.extui %lt3A_215 : i1 to i32
      %cond3A_217 = arith.constant 0 : i32
      %cond3A_218 = arith.cmpi ne, %convert_element_type3A_216, %cond3A_217 : i32
      scf.if %cond3A_218 {
        %sub3A_311 = arith.constant 1 : i32
        %sub3A_312 = arith.subi %add3A_177, %sub3A_311 : i32
        %mul3A_313 = arith.constant 256 : i32
        %mul3A_314 = arith.muli %sub3A_312, %mul3A_313 : i32
        %add3A_315 = arith.addi %mul3A_2, %mul3A_314 : i32
        %dma_wait3A_316 = arith.constant 0 : i32
        %dma_wait3A_317 = arith.constant 0 : i32
        %dma_wait3A_318 = arith.constant 0 : i32
        %dma_wait3A_319 = arith.constant 0 : i32
        %dma_wait3A_320 = tpu.memref_slice %arg6[%dma_wait3A_316, %dma_wait3A_318, %dma_wait3A_319] : memref<4x256x64xf32, #tpu.memory_space<vmem>> -> memref<1x256x64xf32, #tpu.memory_space<vmem>>
        %dma_wait3A_321 = tpu.memref_squeeze %dma_wait3A_320 : memref<1x256x64xf32, #tpu.memory_space<vmem>> -> memref<256x64xf32, #tpu.memory_space<vmem>>
        %dma_wait3A_322 = arith.constant 0 : i32
        %dma_wait3A_323 = tpu.memref_slice %arg4[%add3A_315, %dma_wait3A_322] : memref<819200x64xf32, #tpu.memory_space<hbm>> -> memref<256x64xf32, #tpu.memory_space<hbm>>
        %dma_wait3A_324 = tpu.memref_slice %arg8[%dma_wait3A_317] : memref<4x!tpu.dma_semaphore, #tpu.memory_space<semaphore_mem>> -> memref<1x!tpu.dma_semaphore, #tpu.memory_space<semaphore_mem>>
        %dma_wait3A_325 = tpu.memref_squeeze %dma_wait3A_324 : memref<1x!tpu.dma_semaphore, #tpu.memory_space<semaphore_mem>> -> memref<!tpu.dma_semaphore, #tpu.memory_space<semaphore_mem>>
        %dma_wait3A_326 = arith.constant 0 : i32
        %dma_wait3A_327 = tpu.memref_slice %arg4[%add3A_315, %dma_wait3A_326] : memref<819200x64xf32, #tpu.memory_space<hbm>> -> memref<256x64xf32, #tpu.memory_space<hbm>>
        %dma_wait3A_328 = arith.constant 0 : i32
        %dma_wait3A_329 = arith.constant 0 : i32
        %dma_wait3A_330 = tpu.memref_slice %arg6[%dma_wait3A_316, %dma_wait3A_328, %dma_wait3A_329] : memref<4x256x64xf32, #tpu.memory_space<vmem>> -> memref<1x256x64xf32, #tpu.memory_space<vmem>>
        %dma_wait3A_331 = tpu.memref_squeeze %dma_wait3A_330 : memref<1x256x64xf32, #tpu.memory_space<vmem>> -> memref<256x64xf32, #tpu.memory_space<vmem>>
        tpu.wait_dma2 semaphore(%dma_wait3A_325 : memref<!tpu.dma_semaphore, #tpu.memory_space<semaphore_mem>>) src(%dma_wait3A_331 : memref<256x64xf32, #tpu.memory_space<vmem>>) dst(%dma_wait3A_327 : memref<256x64xf32, #tpu.memory_space<hbm>>)
        %mul3A_332 = arith.constant 256 : i32
        %mul3A_333 = arith.muli %sub3A_214, %mul3A_332 : i32
        %dma_start3A_334 = arith.constant 0 : i32
        %dma_start3A_335 = arith.constant 0 : i32
        %dma_start3A_336 = arith.constant 0 : i32
        %dma_start3A_337 = arith.constant 0 : i32
        %dma_start3A_338 = tpu.memref_slice %arg6[%dma_start3A_334, %dma_start3A_336, %dma_start3A_337] : memref<4x256x64xf32, #tpu.memory_space<vmem>> -> memref<1x256x64xf32, #tpu.memory_space<vmem>>
        %dma_start3A_339 = tpu.memref_squeeze %dma_start3A_338 : memref<1x256x64xf32, #tpu.memory_space<vmem>> -> memref<256x64xf32, #tpu.memory_space<vmem>>
        %dma_start3A_340 = tpu.memref_slice %arg5[%mul3A_333] : memref<25600xi32, #tpu.memory_space<vmem>> -> memref<256xi32, #tpu.memory_space<vmem>>
        %dma_start3A_341 = arith.constant 0 : i32
        %dma_start3A_342 = arith.constant 0 : i32
        %dma_start3A_343 = tpu.memref_slice %arg3[%dma_start3A_341, %dma_start3A_342] : memref<1000000x64xf32, #tpu.memory_space<hbm>> -> memref<1000000x64xf32, #tpu.memory_space<hbm>>
        %dma_start3A_344 = tpu.memref_slice %arg7[%dma_start3A_335] : memref<4x!tpu.dma_semaphore, #tpu.memory_space<semaphore_mem>> -> memref<1x!tpu.dma_semaphore, #tpu.memory_space<semaphore_mem>>
        %dma_start3A_345 = tpu.memref_squeeze %dma_start3A_344 : memref<1x!tpu.dma_semaphore, #tpu.memory_space<semaphore_mem>> -> memref<!tpu.dma_semaphore, #tpu.memory_space<semaphore_mem>>
        tpu.enqueue_indirect_dma source(%dma_start3A_343 : memref<1000000x64xf32, #tpu.memory_space<hbm>>) target(%dma_start3A_339 : memref<256x64xf32, #tpu.memory_space<vmem>>) offsets(%dma_start3A_340 : memref<256xi32, #tpu.memory_space<vmem>>) semaphore(%dma_start3A_345 : memref<!tpu.dma_semaphore, #tpu.memory_space<semaphore_mem>>)
      } else {
      }
      %mul3A_219 = arith.constant 4 : i32
      %mul3A_220 = arith.muli %mul3A_219, %scan3A_117 : i32
      %add3A_221 = arith.constant 2 : i32
      %add3A_222 = arith.addi %mul3A_220, %add3A_221 : i32
      %mul3A_223 = arith.constant 256 : i32
      %mul3A_224 = arith.muli %add3A_222, %mul3A_223 : i32
      %dma_wait3A_225 = arith.constant 2 : i32
      %dma_wait3A_226 = arith.constant 2 : i32
      %dma_wait3A_227 = arith.constant 0 : i32
      %dma_wait3A_228 = arith.constant 0 : i32
      %dma_wait3A_229 = tpu.memref_slice %arg6[%dma_wait3A_225, %dma_wait3A_227, %dma_wait3A_228] : memref<4x256x64xf32, #tpu.memory_space<vmem>> -> memref<1x256x64xf32, #tpu.memory_space<vmem>>
      %dma_wait3A_230 = tpu.memref_squeeze %dma_wait3A_229 : memref<1x256x64xf32, #tpu.memory_space<vmem>> -> memref<256x64xf32, #tpu.memory_space<vmem>>
      %dma_wait3A_231 = tpu.memref_slice %arg5[%mul3A_224] : memref<25600xi32, #tpu.memory_space<vmem>> -> memref<256xi32, #tpu.memory_space<vmem>>
      %dma_wait3A_232 = arith.constant 0 : i32
      %dma_wait3A_233 = arith.constant 0 : i32
      %dma_wait3A_234 = tpu.memref_slice %arg3[%dma_wait3A_232, %dma_wait3A_233] : memref<1000000x64xf32, #tpu.memory_space<hbm>> -> memref<1000000x64xf32, #tpu.memory_space<hbm>>
      %dma_wait3A_235 = tpu.memref_slice %arg7[%dma_wait3A_226] : memref<4x!tpu.dma_semaphore, #tpu.memory_space<semaphore_mem>> -> memref<1x!tpu.dma_semaphore, #tpu.memory_space<semaphore_mem>>
      %dma_wait3A_236 = tpu.memref_squeeze %dma_wait3A_235 : memref<1x!tpu.dma_semaphore, #tpu.memory_space<semaphore_mem>> -> memref<!tpu.dma_semaphore, #tpu.memory_space<semaphore_mem>>
      tpu.wait_indirect_dma semaphore(%dma_wait3A_236 : memref<!tpu.dma_semaphore, #tpu.memory_space<semaphore_mem>>) src(%dma_wait3A_234 : memref<1000000x64xf32, #tpu.memory_space<hbm>>) dst(%dma_wait3A_230 : memref<256x64xf32, #tpu.memory_space<vmem>>)
      %mul3A_237 = arith.constant 256 : i32
      %mul3A_238 = arith.muli %add3A_222, %mul3A_237 : i32
      %add3A_239 = arith.addi %mul3A_2, %mul3A_238 : i32
      %dma_start3A_240 = arith.constant 2 : i32
      %dma_start3A_241 = arith.constant 2 : i32
      %dma_start3A_242 = arith.constant 0 : i32
      %dma_start3A_243 = arith.constant 0 : i32
      %dma_start3A_244 = tpu.memref_slice %arg6[%dma_start3A_240, %dma_start3A_242, %dma_start3A_243] : memref<4x256x64xf32, #tpu.memory_space<vmem>> -> memref<1x256x64xf32, #tpu.memory_space<vmem>>
      %dma_start3A_245 = tpu.memref_squeeze %dma_start3A_244 : memref<1x256x64xf32, #tpu.memory_space<vmem>> -> memref<256x64xf32, #tpu.memory_space<vmem>>
      %dma_start3A_246 = arith.constant 0 : i32
      %dma_start3A_247 = tpu.memref_slice %arg4[%add3A_239, %dma_start3A_246] : memref<819200x64xf32, #tpu.memory_space<hbm>> -> memref<256x64xf32, #tpu.memory_space<hbm>>
      %dma_start3A_248 = tpu.memref_slice %arg8[%dma_start3A_241] : memref<4x!tpu.dma_semaphore, #tpu.memory_space<semaphore_mem>> -> memref<1x!tpu.dma_semaphore, #tpu.memory_space<semaphore_mem>>
      %dma_start3A_249 = tpu.memref_squeeze %dma_start3A_248 : memref<1x!tpu.dma_semaphore, #tpu.memory_space<semaphore_mem>> -> memref<!tpu.dma_semaphore, #tpu.memory_space<semaphore_mem>>
      %dma_start3A_250 = arith.constant 0 : i32
      %dma_start3A_251 = tpu.memref_slice %arg4[%add3A_239, %dma_start3A_250] : memref<819200x64xf32, #tpu.memory_space<hbm>> -> memref<256x64xf32, #tpu.memory_space<hbm>>
      %dma_start3A_252 = arith.constant 0 : i32
      %dma_start3A_253 = arith.constant 0 : i32
      %dma_start3A_254 = tpu.memref_slice %arg6[%dma_start3A_240, %dma_start3A_252, %dma_start3A_253] : memref<4x256x64xf32, #tpu.memory_space<vmem>> -> memref<1x256x64xf32, #tpu.memory_space<vmem>>
      %dma_start3A_255 = tpu.memref_squeeze %dma_start3A_254 : memref<1x256x64xf32, #tpu.memory_space<vmem>> -> memref<256x64xf32, #tpu.memory_space<vmem>>
      tpu.enqueue_dma source(%dma_start3A_255 : memref<256x64xf32, #tpu.memory_space<vmem>>) target(%dma_start3A_251 : memref<256x64xf32, #tpu.memory_space<hbm>>) target_semaphore(%dma_start3A_249 : memref<!tpu.dma_semaphore, #tpu.memory_space<semaphore_mem>>)
      %add3A_256 = arith.constant 4 : i32
      %add3A_257 = arith.addi %add3A_222, %add3A_256 : i32
      %sub3A_258 = arith.constant 1 : i32
      %sub3A_259 = arith.subi %add3A_257, %sub3A_258 : i32
      %lt3A_260 = arith.constant 24 : i32
      %lt3A_261 = arith.cmpi slt, %scan3A_117, %lt3A_260 : i32
      %convert_element_type3A_262 = arith.extui %lt3A_261 : i1 to i32
      %cond3A_263 = arith.constant 0 : i32
      %cond3A_264 = arith.cmpi ne, %convert_element_type3A_262, %cond3A_263 : i32
      scf.if %cond3A_264 {
        %sub3A_311 = arith.constant 1 : i32
        %sub3A_312 = arith.subi %add3A_222, %sub3A_311 : i32
        %mul3A_313 = arith.constant 256 : i32
        %mul3A_314 = arith.muli %sub3A_312, %mul3A_313 : i32
        %add3A_315 = arith.addi %mul3A_2, %mul3A_314 : i32
        %dma_wait3A_316 = arith.constant 1 : i32
        %dma_wait3A_317 = arith.constant 1 : i32
        %dma_wait3A_318 = arith.constant 0 : i32
        %dma_wait3A_319 = arith.constant 0 : i32
        %dma_wait3A_320 = tpu.memref_slice %arg6[%dma_wait3A_316, %dma_wait3A_318, %dma_wait3A_319] : memref<4x256x64xf32, #tpu.memory_space<vmem>> -> memref<1x256x64xf32, #tpu.memory_space<vmem>>
        %dma_wait3A_321 = tpu.memref_squeeze %dma_wait3A_320 : memref<1x256x64xf32, #tpu.memory_space<vmem>> -> memref<256x64xf32, #tpu.memory_space<vmem>>
        %dma_wait3A_322 = arith.constant 0 : i32
        %dma_wait3A_323 = tpu.memref_slice %arg4[%add3A_315, %dma_wait3A_322] : memref<819200x64xf32, #tpu.memory_space<hbm>> -> memref<256x64xf32, #tpu.memory_space<hbm>>
        %dma_wait3A_324 = tpu.memref_slice %arg8[%dma_wait3A_317] : memref<4x!tpu.dma_semaphore, #tpu.memory_space<semaphore_mem>> -> memref<1x!tpu.dma_semaphore, #tpu.memory_space<semaphore_mem>>
        %dma_wait3A_325 = tpu.memref_squeeze %dma_wait3A_324 : memref<1x!tpu.dma_semaphore, #tpu.memory_space<semaphore_mem>> -> memref<!tpu.dma_semaphore, #tpu.memory_space<semaphore_mem>>
        %dma_wait3A_326 = arith.constant 0 : i32
        %dma_wait3A_327 = tpu.memref_slice %arg4[%add3A_315, %dma_wait3A_326] : memref<819200x64xf32, #tpu.memory_space<hbm>> -> memref<256x64xf32, #tpu.memory_space<hbm>>
        %dma_wait3A_328 = arith.constant 0 : i32
        %dma_wait3A_329 = arith.constant 0 : i32
        %dma_wait3A_330 = tpu.memref_slice %arg6[%dma_wait3A_316, %dma_wait3A_328, %dma_wait3A_329] : memref<4x256x64xf32, #tpu.memory_space<vmem>> -> memref<1x256x64xf32, #tpu.memory_space<vmem>>
        %dma_wait3A_331 = tpu.memref_squeeze %dma_wait3A_330 : memref<1x256x64xf32, #tpu.memory_space<vmem>> -> memref<256x64xf32, #tpu.memory_space<vmem>>
        tpu.wait_dma2 semaphore(%dma_wait3A_325 : memref<!tpu.dma_semaphore, #tpu.memory_space<semaphore_mem>>) src(%dma_wait3A_331 : memref<256x64xf32, #tpu.memory_space<vmem>>) dst(%dma_wait3A_327 : memref<256x64xf32, #tpu.memory_space<hbm>>)
        %mul3A_332 = arith.constant 256 : i32
        %mul3A_333 = arith.muli %sub3A_259, %mul3A_332 : i32
        %dma_start3A_334 = arith.constant 1 : i32
        %dma_start3A_335 = arith.constant 1 : i32
        %dma_start3A_336 = arith.constant 0 : i32
        %dma_start3A_337 = arith.constant 0 : i32
        %dma_start3A_338 = tpu.memref_slice %arg6[%dma_start3A_334, %dma_start3A_336, %dma_start3A_337] : memref<4x256x64xf32, #tpu.memory_space<vmem>> -> memref<1x256x64xf32, #tpu.memory_space<vmem>>
        %dma_start3A_339 = tpu.memref_squeeze %dma_start3A_338 : memref<1x256x64xf32, #tpu.memory_space<vmem>> -> memref<256x64xf32, #tpu.memory_space<vmem>>
        %dma_start3A_340 = tpu.memref_slice %arg5[%mul3A_333] : memref<25600xi32, #tpu.memory_space<vmem>> -> memref<256xi32, #tpu.memory_space<vmem>>
        %dma_start3A_341 = arith.constant 0 : i32
        %dma_start3A_342 = arith.constant 0 : i32
        %dma_start3A_343 = tpu.memref_slice %arg3[%dma_start3A_341, %dma_start3A_342] : memref<1000000x64xf32, #tpu.memory_space<hbm>> -> memref<1000000x64xf32, #tpu.memory_space<hbm>>
        %dma_start3A_344 = tpu.memref_slice %arg7[%dma_start3A_335] : memref<4x!tpu.dma_semaphore, #tpu.memory_space<semaphore_mem>> -> memref<1x!tpu.dma_semaphore, #tpu.memory_space<semaphore_mem>>
        %dma_start3A_345 = tpu.memref_squeeze %dma_start3A_344 : memref<1x!tpu.dma_semaphore, #tpu.memory_space<semaphore_mem>> -> memref<!tpu.dma_semaphore, #tpu.memory_space<semaphore_mem>>
        tpu.enqueue_indirect_dma source(%dma_start3A_343 : memref<1000000x64xf32, #tpu.memory_space<hbm>>) target(%dma_start3A_339 : memref<256x64xf32, #tpu.memory_space<vmem>>) offsets(%dma_start3A_340 : memref<256xi32, #tpu.memory_space<vmem>>) semaphore(%dma_start3A_345 : memref<!tpu.dma_semaphore, #tpu.memory_space<semaphore_mem>>)
      } else {
      }
      %mul3A_265 = arith.constant 4 : i32
      %mul3A_266 = arith.muli %mul3A_265, %scan3A_117 : i32
      %add3A_267 = arith.constant 3 : i32
      %add3A_268 = arith.addi %mul3A_266, %add3A_267 : i32
      %mul3A_269 = arith.constant 256 : i32
      %mul3A_270 = arith.muli %add3A_268, %mul3A_269 : i32
      %dma_wait3A_271 = arith.constant 3 : i32
      %dma_wait3A_272 = arith.constant 3 : i32
      %dma_wait3A_273 = arith.constant 0 : i32
      %dma_wait3A_274 = arith.constant 0 : i32
      %dma_wait3A_275 = tpu.memref_slice %arg6[%dma_wait3A_271, %dma_wait3A_273, %dma_wait3A_274] : memref<4x256x64xf32, #tpu.memory_space<vmem>> -> memref<1x256x64xf32, #tpu.memory_space<vmem>>
      %dma_wait3A_276 = tpu.memref_squeeze %dma_wait3A_275 : memref<1x256x64xf32, #tpu.memory_space<vmem>> -> memref<256x64xf32, #tpu.memory_space<vmem>>
      %dma_wait3A_277 = tpu.memref_slice %arg5[%mul3A_270] : memref<25600xi32, #tpu.memory_space<vmem>> -> memref<256xi32, #tpu.memory_space<vmem>>
      %dma_wait3A_278 = arith.constant 0 : i32
      %dma_wait3A_279 = arith.constant 0 : i32
      %dma_wait3A_280 = tpu.memref_slice %arg3[%dma_wait3A_278, %dma_wait3A_279] : memref<1000000x64xf32, #tpu.memory_space<hbm>> -> memref<1000000x64xf32, #tpu.memory_space<hbm>>
      %dma_wait3A_281 = tpu.memref_slice %arg7[%dma_wait3A_272] : memref<4x!tpu.dma_semaphore, #tpu.memory_space<semaphore_mem>> -> memref<1x!tpu.dma_semaphore, #tpu.memory_space<semaphore_mem>>
      %dma_wait3A_282 = tpu.memref_squeeze %dma_wait3A_281 : memref<1x!tpu.dma_semaphore, #tpu.memory_space<semaphore_mem>> -> memref<!tpu.dma_semaphore, #tpu.memory_space<semaphore_mem>>
      tpu.wait_indirect_dma semaphore(%dma_wait3A_282 : memref<!tpu.dma_semaphore, #tpu.memory_space<semaphore_mem>>) src(%dma_wait3A_280 : memref<1000000x64xf32, #tpu.memory_space<hbm>>) dst(%dma_wait3A_276 : memref<256x64xf32, #tpu.memory_space<vmem>>)
      %mul3A_283 = arith.constant 256 : i32
      %mul3A_284 = arith.muli %add3A_268, %mul3A_283 : i32
      %add3A_285 = arith.addi %mul3A_2, %mul3A_284 : i32
      %dma_start3A_286 = arith.constant 3 : i32
      %dma_start3A_287 = arith.constant 3 : i32
      %dma_start3A_288 = arith.constant 0 : i32
      %dma_start3A_289 = arith.constant 0 : i32
      %dma_start3A_290 = tpu.memref_slice %arg6[%dma_start3A_286, %dma_start3A_288, %dma_start3A_289] : memref<4x256x64xf32, #tpu.memory_space<vmem>> -> memref<1x256x64xf32, #tpu.memory_space<vmem>>
      %dma_start3A_291 = tpu.memref_squeeze %dma_start3A_290 : memref<1x256x64xf32, #tpu.memory_space<vmem>> -> memref<256x64xf32, #tpu.memory_space<vmem>>
      %dma_start3A_292 = arith.constant 0 : i32
      %dma_start3A_293 = tpu.memref_slice %arg4[%add3A_285, %dma_start3A_292] : memref<819200x64xf32, #tpu.memory_space<hbm>> -> memref<256x64xf32, #tpu.memory_space<hbm>>
      %dma_start3A_294 = tpu.memref_slice %arg8[%dma_start3A_287] : memref<4x!tpu.dma_semaphore, #tpu.memory_space<semaphore_mem>> -> memref<1x!tpu.dma_semaphore, #tpu.memory_space<semaphore_mem>>
      %dma_start3A_295 = tpu.memref_squeeze %dma_start3A_294 : memref<1x!tpu.dma_semaphore, #tpu.memory_space<semaphore_mem>> -> memref<!tpu.dma_semaphore, #tpu.memory_space<semaphore_mem>>
      %dma_start3A_296 = arith.constant 0 : i32
      %dma_start3A_297 = tpu.memref_slice %arg4[%add3A_285, %dma_start3A_296] : memref<819200x64xf32, #tpu.memory_space<hbm>> -> memref<256x64xf32, #tpu.memory_space<hbm>>
      %dma_start3A_298 = arith.constant 0 : i32
      %dma_start3A_299 = arith.constant 0 : i32
      %dma_start3A_300 = tpu.memref_slice %arg6[%dma_start3A_286, %dma_start3A_298, %dma_start3A_299] : memref<4x256x64xf32, #tpu.memory_space<vmem>> -> memref<1x256x64xf32, #tpu.memory_space<vmem>>
      %dma_start3A_301 = tpu.memref_squeeze %dma_start3A_300 : memref<1x256x64xf32, #tpu.memory_space<vmem>> -> memref<256x64xf32, #tpu.memory_space<vmem>>
      tpu.enqueue_dma source(%dma_start3A_301 : memref<256x64xf32, #tpu.memory_space<vmem>>) target(%dma_start3A_297 : memref<256x64xf32, #tpu.memory_space<hbm>>) target_semaphore(%dma_start3A_295 : memref<!tpu.dma_semaphore, #tpu.memory_space<semaphore_mem>>)
      %add3A_302 = arith.constant 4 : i32
      %add3A_303 = arith.addi %add3A_268, %add3A_302 : i32
      %sub3A_304 = arith.constant 1 : i32
      %sub3A_305 = arith.subi %add3A_303, %sub3A_304 : i32
      %lt3A_306 = arith.constant 24 : i32
      %lt3A_307 = arith.cmpi slt, %scan3A_117, %lt3A_306 : i32
      %convert_element_type3A_308 = arith.extui %lt3A_307 : i1 to i32
      %cond3A_309 = arith.constant 0 : i32
      %cond3A_310 = arith.cmpi ne, %convert_element_type3A_308, %cond3A_309 : i32
      scf.if %cond3A_310 {
        %sub3A_311 = arith.constant 1 : i32
        %sub3A_312 = arith.subi %add3A_268, %sub3A_311 : i32
        %mul3A_313 = arith.constant 256 : i32
        %mul3A_314 = arith.muli %sub3A_312, %mul3A_313 : i32
        %add3A_315 = arith.addi %mul3A_2, %mul3A_314 : i32
        %dma_wait3A_316 = arith.constant 2 : i32
        %dma_wait3A_317 = arith.constant 2 : i32
        %dma_wait3A_318 = arith.constant 0 : i32
        %dma_wait3A_319 = arith.constant 0 : i32
        %dma_wait3A_320 = tpu.memref_slice %arg6[%dma_wait3A_316, %dma_wait3A_318, %dma_wait3A_319] : memref<4x256x64xf32, #tpu.memory_space<vmem>> -> memref<1x256x64xf32, #tpu.memory_space<vmem>>
        %dma_wait3A_321 = tpu.memref_squeeze %dma_wait3A_320 : memref<1x256x64xf32, #tpu.memory_space<vmem>> -> memref<256x64xf32, #tpu.memory_space<vmem>>
        %dma_wait3A_322 = arith.constant 0 : i32
        %dma_wait3A_323 = tpu.memref_slice %arg4[%add3A_315, %dma_wait3A_322] : memref<819200x64xf32, #tpu.memory_space<hbm>> -> memref<256x64xf32, #tpu.memory_space<hbm>>
        %dma_wait3A_324 = tpu.memref_slice %arg8[%dma_wait3A_317] : memref<4x!tpu.dma_semaphore, #tpu.memory_space<semaphore_mem>> -> memref<1x!tpu.dma_semaphore, #tpu.memory_space<semaphore_mem>>
        %dma_wait3A_325 = tpu.memref_squeeze %dma_wait3A_324 : memref<1x!tpu.dma_semaphore, #tpu.memory_space<semaphore_mem>> -> memref<!tpu.dma_semaphore, #tpu.memory_space<semaphore_mem>>
        %dma_wait3A_326 = arith.constant 0 : i32
        %dma_wait3A_327 = tpu.memref_slice %arg4[%add3A_315, %dma_wait3A_326] : memref<819200x64xf32, #tpu.memory_space<hbm>> -> memref<256x64xf32, #tpu.memory_space<hbm>>
        %dma_wait3A_328 = arith.constant 0 : i32
        %dma_wait3A_329 = arith.constant 0 : i32
        %dma_wait3A_330 = tpu.memref_slice %arg6[%dma_wait3A_316, %dma_wait3A_328, %dma_wait3A_329] : memref<4x256x64xf32, #tpu.memory_space<vmem>> -> memref<1x256x64xf32, #tpu.memory_space<vmem>>
        %dma_wait3A_331 = tpu.memref_squeeze %dma_wait3A_330 : memref<1x256x64xf32, #tpu.memory_space<vmem>> -> memref<256x64xf32, #tpu.memory_space<vmem>>
        tpu.wait_dma2 semaphore(%dma_wait3A_325 : memref<!tpu.dma_semaphore, #tpu.memory_space<semaphore_mem>>) src(%dma_wait3A_331 : memref<256x64xf32, #tpu.memory_space<vmem>>) dst(%dma_wait3A_327 : memref<256x64xf32, #tpu.memory_space<hbm>>)
        %mul3A_332 = arith.constant 256 : i32
        %mul3A_333 = arith.muli %sub3A_305, %mul3A_332 : i32
        %dma_start3A_334 = arith.constant 2 : i32
        %dma_start3A_335 = arith.constant 2 : i32
        %dma_start3A_336 = arith.constant 0 : i32
        %dma_start3A_337 = arith.constant 0 : i32
        %dma_start3A_338 = tpu.memref_slice %arg6[%dma_start3A_334, %dma_start3A_336, %dma_start3A_337] : memref<4x256x64xf32, #tpu.memory_space<vmem>> -> memref<1x256x64xf32, #tpu.memory_space<vmem>>
        %dma_start3A_339 = tpu.memref_squeeze %dma_start3A_338 : memref<1x256x64xf32, #tpu.memory_space<vmem>> -> memref<256x64xf32, #tpu.memory_space<vmem>>
        %dma_start3A_340 = tpu.memref_slice %arg5[%mul3A_333] : memref<25600xi32, #tpu.memory_space<vmem>> -> memref<256xi32, #tpu.memory_space<vmem>>
        %dma_start3A_341 = arith.constant 0 : i32
        %dma_start3A_342 = arith.constant 0 : i32
        %dma_start3A_343 = tpu.memref_slice %arg3[%dma_start3A_341, %dma_start3A_342] : memref<1000000x64xf32, #tpu.memory_space<hbm>> -> memref<1000000x64xf32, #tpu.memory_space<hbm>>
        %dma_start3A_344 = tpu.memref_slice %arg7[%dma_start3A_335] : memref<4x!tpu.dma_semaphore, #tpu.memory_space<semaphore_mem>> -> memref<1x!tpu.dma_semaphore, #tpu.memory_space<semaphore_mem>>
        %dma_start3A_345 = tpu.memref_squeeze %dma_start3A_344 : memref<1x!tpu.dma_semaphore, #tpu.memory_space<semaphore_mem>> -> memref<!tpu.dma_semaphore, #tpu.memory_space<semaphore_mem>>
        tpu.enqueue_indirect_dma source(%dma_start3A_343 : memref<1000000x64xf32, #tpu.memory_space<hbm>>) target(%dma_start3A_339 : memref<256x64xf32, #tpu.memory_space<vmem>>) offsets(%dma_start3A_340 : memref<256xi32, #tpu.memory_space<vmem>>) semaphore(%dma_start3A_345 : memref<!tpu.dma_semaphore, #tpu.memory_space<semaphore_mem>>)
      } else {
      }
    }
    %scan3A_45 = arith.constant 25 : i32
    %add3A_46 = arith.constant 24576 : i32
    %add3A_47 = arith.addi %mul3A_2, %add3A_46 : i32
    %dma_wait3A = arith.constant 0 : i32
    %dma_wait3A_48 = arith.constant 0 : i32
    %dma_wait3A_49 = arith.constant 0 : i32
    %dma_wait3A_50 = arith.constant 0 : i32
    %dma_wait3A_51 = tpu.memref_slice %arg6[%dma_wait3A, %dma_wait3A_49, %dma_wait3A_50] : memref<4x256x64xf32, #tpu.memory_space<vmem>> -> memref<1x256x64xf32, #tpu.memory_space<vmem>>
    %dma_wait3A_52 = tpu.memref_squeeze %dma_wait3A_51 : memref<1x256x64xf32, #tpu.memory_space<vmem>> -> memref<256x64xf32, #tpu.memory_space<vmem>>
    %dma_wait3A_53 = arith.constant 0 : i32
    %dma_wait3A_54 = tpu.memref_slice %arg4[%add3A_47, %dma_wait3A_53] : memref<819200x64xf32, #tpu.memory_space<hbm>> -> memref<256x64xf32, #tpu.memory_space<hbm>>
    %dma_wait3A_55 = tpu.memref_slice %arg8[%dma_wait3A_48] : memref<4x!tpu.dma_semaphore, #tpu.memory_space<semaphore_mem>> -> memref<1x!tpu.dma_semaphore, #tpu.memory_space<semaphore_mem>>
    %dma_wait3A_56 = tpu.memref_squeeze %dma_wait3A_55 : memref<1x!tpu.dma_semaphore, #tpu.memory_space<semaphore_mem>> -> memref<!tpu.dma_semaphore, #tpu.memory_space<semaphore_mem>>
    %dma_wait3A_57 = arith.constant 0 : i32
    %dma_wait3A_58 = tpu.memref_slice %arg4[%add3A_47, %dma_wait3A_57] : memref<819200x64xf32, #tpu.memory_space<hbm>> -> memref<256x64xf32, #tpu.memory_space<hbm>>
    %dma_wait3A_59 = arith.constant 0 : i32
    %dma_wait3A_60 = arith.constant 0 : i32
    %dma_wait3A_61 = tpu.memref_slice %arg6[%dma_wait3A, %dma_wait3A_59, %dma_wait3A_60] : memref<4x256x64xf32, #tpu.memory_space<vmem>> -> memref<1x256x64xf32, #tpu.memory_space<vmem>>
    %dma_wait3A_62 = tpu.memref_squeeze %dma_wait3A_61 : memref<1x256x64xf32, #tpu.memory_space<vmem>> -> memref<256x64xf32, #tpu.memory_space<vmem>>
    tpu.wait_dma2 semaphore(%dma_wait3A_56 : memref<!tpu.dma_semaphore, #tpu.memory_space<semaphore_mem>>) src(%dma_wait3A_62 : memref<256x64xf32, #tpu.memory_space<vmem>>) dst(%dma_wait3A_58 : memref<256x64xf32, #tpu.memory_space<hbm>>)
    %add3A_63 = arith.constant 24832 : i32
    %add3A_64 = arith.addi %mul3A_2, %add3A_63 : i32
    %dma_wait3A_65 = arith.constant 1 : i32
    %dma_wait3A_66 = arith.constant 1 : i32
    %dma_wait3A_67 = arith.constant 0 : i32
    %dma_wait3A_68 = arith.constant 0 : i32
    %dma_wait3A_69 = tpu.memref_slice %arg6[%dma_wait3A_65, %dma_wait3A_67, %dma_wait3A_68] : memref<4x256x64xf32, #tpu.memory_space<vmem>> -> memref<1x256x64xf32, #tpu.memory_space<vmem>>
    %dma_wait3A_70 = tpu.memref_squeeze %dma_wait3A_69 : memref<1x256x64xf32, #tpu.memory_space<vmem>> -> memref<256x64xf32, #tpu.memory_space<vmem>>
    %dma_wait3A_71 = arith.constant 0 : i32
    %dma_wait3A_72 = tpu.memref_slice %arg4[%add3A_64, %dma_wait3A_71] : memref<819200x64xf32, #tpu.memory_space<hbm>> -> memref<256x64xf32, #tpu.memory_space<hbm>>
    %dma_wait3A_73 = tpu.memref_slice %arg8[%dma_wait3A_66] : memref<4x!tpu.dma_semaphore, #tpu.memory_space<semaphore_mem>> -> memref<1x!tpu.dma_semaphore, #tpu.memory_space<semaphore_mem>>
    %dma_wait3A_74 = tpu.memref_squeeze %dma_wait3A_73 : memref<1x!tpu.dma_semaphore, #tpu.memory_space<semaphore_mem>> -> memref<!tpu.dma_semaphore, #tpu.memory_space<semaphore_mem>>
    %dma_wait3A_75 = arith.constant 0 : i32
    %dma_wait3A_76 = tpu.memref_slice %arg4[%add3A_64, %dma_wait3A_75] : memref<819200x64xf32, #tpu.memory_space<hbm>> -> memref<256x64xf32, #tpu.memory_space<hbm>>
    %dma_wait3A_77 = arith.constant 0 : i32
    %dma_wait3A_78 = arith.constant 0 : i32
    %dma_wait3A_79 = tpu.memref_slice %arg6[%dma_wait3A_65, %dma_wait3A_77, %dma_wait3A_78] : memref<4x256x64xf32, #tpu.memory_space<vmem>> -> memref<1x256x64xf32, #tpu.memory_space<vmem>>
    %dma_wait3A_80 = tpu.memref_squeeze %dma_wait3A_79 : memref<1x256x64xf32, #tpu.memory_space<vmem>> -> memref<256x64xf32, #tpu.memory_space<vmem>>
    tpu.wait_dma2 semaphore(%dma_wait3A_74 : memref<!tpu.dma_semaphore, #tpu.memory_space<semaphore_mem>>) src(%dma_wait3A_80 : memref<256x64xf32, #tpu.memory_space<vmem>>) dst(%dma_wait3A_76 : memref<256x64xf32, #tpu.memory_space<hbm>>)
    %add3A_81 = arith.constant 25088 : i32
    %add3A_82 = arith.addi %mul3A_2, %add3A_81 : i32
    %dma_wait3A_83 = arith.constant 2 : i32
    %dma_wait3A_84 = arith.constant 2 : i32
    %dma_wait3A_85 = arith.constant 0 : i32
    %dma_wait3A_86 = arith.constant 0 : i32
    %dma_wait3A_87 = tpu.memref_slice %arg6[%dma_wait3A_83, %dma_wait3A_85, %dma_wait3A_86] : memref<4x256x64xf32, #tpu.memory_space<vmem>> -> memref<1x256x64xf32, #tpu.memory_space<vmem>>
    %dma_wait3A_88 = tpu.memref_squeeze %dma_wait3A_87 : memref<1x256x64xf32, #tpu.memory_space<vmem>> -> memref<256x64xf32, #tpu.memory_space<vmem>>
    %dma_wait3A_89 = arith.constant 0 : i32
    %dma_wait3A_90 = tpu.memref_slice %arg4[%add3A_82, %dma_wait3A_89] : memref<819200x64xf32, #tpu.memory_space<hbm>> -> memref<256x64xf32, #tpu.memory_space<hbm>>
    %dma_wait3A_91 = tpu.memref_slice %arg8[%dma_wait3A_84] : memref<4x!tpu.dma_semaphore, #tpu.memory_space<semaphore_mem>> -> memref<1x!tpu.dma_semaphore, #tpu.memory_space<semaphore_mem>>
    %dma_wait3A_92 = tpu.memref_squeeze %dma_wait3A_91 : memref<1x!tpu.dma_semaphore, #tpu.memory_space<semaphore_mem>> -> memref<!tpu.dma_semaphore, #tpu.memory_space<semaphore_mem>>
    %dma_wait3A_93 = arith.constant 0 : i32
    %dma_wait3A_94 = tpu.memref_slice %arg4[%add3A_82, %dma_wait3A_93] : memref<819200x64xf32, #tpu.memory_space<hbm>> -> memref<256x64xf32, #tpu.memory_space<hbm>>
    %dma_wait3A_95 = arith.constant 0 : i32
    %dma_wait3A_96 = arith.constant 0 : i32
    %dma_wait3A_97 = tpu.memref_slice %arg6[%dma_wait3A_83, %dma_wait3A_95, %dma_wait3A_96] : memref<4x256x64xf32, #tpu.memory_space<vmem>> -> memref<1x256x64xf32, #tpu.memory_space<vmem>>
    %dma_wait3A_98 = tpu.memref_squeeze %dma_wait3A_97 : memref<1x256x64xf32, #tpu.memory_space<vmem>> -> memref<256x64xf32, #tpu.memory_space<vmem>>
    tpu.wait_dma2 semaphore(%dma_wait3A_92 : memref<!tpu.dma_semaphore, #tpu.memory_space<semaphore_mem>>) src(%dma_wait3A_98 : memref<256x64xf32, #tpu.memory_space<vmem>>) dst(%dma_wait3A_94 : memref<256x64xf32, #tpu.memory_space<hbm>>)
    %add3A_99 = arith.constant 25344 : i32
    %add3A_100 = arith.addi %mul3A_2, %add3A_99 : i32
    %dma_wait3A_101 = arith.constant 3 : i32
    %dma_wait3A_102 = arith.constant 3 : i32
    %dma_wait3A_103 = arith.constant 0 : i32
    %dma_wait3A_104 = arith.constant 0 : i32
    %dma_wait3A_105 = tpu.memref_slice %arg6[%dma_wait3A_101, %dma_wait3A_103, %dma_wait3A_104] : memref<4x256x64xf32, #tpu.memory_space<vmem>> -> memref<1x256x64xf32, #tpu.memory_space<vmem>>
    %dma_wait3A_106 = tpu.memref_squeeze %dma_wait3A_105 : memref<1x256x64xf32, #tpu.memory_space<vmem>> -> memref<256x64xf32, #tpu.memory_space<vmem>>
    %dma_wait3A_107 = arith.constant 0 : i32
    %dma_wait3A_108 = tpu.memref_slice %arg4[%add3A_100, %dma_wait3A_107] : memref<819200x64xf32, #tpu.memory_space<hbm>> -> memref<256x64xf32, #tpu.memory_space<hbm>>
    %dma_wait3A_109 = tpu.memref_slice %arg8[%dma_wait3A_102] : memref<4x!tpu.dma_semaphore, #tpu.memory_space<semaphore_mem>> -> memref<1x!tpu.dma_semaphore, #tpu.memory_space<semaphore_mem>>
    %dma_wait3A_110 = tpu.memref_squeeze %dma_wait3A_109 : memref<1x!tpu.dma_semaphore, #tpu.memory_space<semaphore_mem>> -> memref<!tpu.dma_semaphore, #tpu.memory_space<semaphore_mem>>
    %dma_wait3A_111 = arith.constant 0 : i32
    %dma_wait3A_112 = tpu.memref_slice %arg4[%add3A_100, %dma_wait3A_111] : memref<819200x64xf32, #tpu.memory_space<hbm>> -> memref<256x64xf32, #tpu.memory_space<hbm>>
    %dma_wait3A_113 = arith.constant 0 : i32
    %dma_wait3A_114 = arith.constant 0 : i32
    %dma_wait3A_115 = tpu.memref_slice %arg6[%dma_wait3A_101, %dma_wait3A_113, %dma_wait3A_114] : memref<4x256x64xf32, #tpu.memory_space<vmem>> -> memref<1x256x64xf32, #tpu.memory_space<vmem>>
    %dma_wait3A_116 = tpu.memref_squeeze %dma_wait3A_115 : memref<1x256x64xf32, #tpu.memory_space<vmem>> -> memref<256x64xf32, #tpu.memory_space<vmem>>
    tpu.wait_dma2 semaphore(%dma_wait3A_110 : memref<!tpu.dma_semaphore, #tpu.memory_space<semaphore_mem>>) src(%dma_wait3A_116 : memref<256x64xf32, #tpu.memory_space<vmem>>) dst(%dma_wait3A_112 : memref<256x64xf32, #tpu.memory_space<hbm>>)
    return
  }
}

module attributes {stable_mosaic.version = 14 : i64} {
  func.func @_ln_body(%arg0: i32, %arg1: memref<1x128xf32, #tpu.memory_space<vmem>>, %arg2: memref<1x128xf32, #tpu.memory_space<vmem>>, %arg3: memref<2048x128xf32, #tpu.memory_space<vmem>>, %arg4: memref<2048x128xf32, #tpu.memory_space<vmem>>) attributes {dimension_semantics = [#tpu.dimension_semantics<arbitrary>], iteration_bounds = array<i64: 200>, scalar_prefetch = 0 : i64, scratch_operands = 0 : i64, tpu.core_type = #tpu.core_type<tc>, window_params = [{pipeline_mode = #tpu.pipeline_mode<synchronous>, transform_indices = @transform_0, window_bounds = array<i64: 1, 128>}, {pipeline_mode = #tpu.pipeline_mode<synchronous>, transform_indices = @transform_1, window_bounds = array<i64: 1, 128>}, {transform_indices = @transform_2, window_bounds = array<i64: 2048, 128>}, {transform_indices = @transform_3, window_bounds = array<i64: 2048, 128>}]} {
    %get3A = arith.constant 0 : index
    %get3A_0 = arith.constant 0 : index
    %get3A_1 = vector.load %arg3[%get3A, %get3A_0] : memref<2048x128xf32, #tpu.memory_space<vmem>>, vector<2048x128xf32>
    %slice3A = vector.extract_strided_slice %get3A_1 {offsets = [0, 0], sizes = [2048, 64], strides = [1, 1]} : vector<2048x128xf32> to vector<2048x64xf32>
    %slice3A_2 = vector.extract_strided_slice %get3A_1 {offsets = [0, 64], sizes = [2048, 64], strides = [1, 1]} : vector<2048x128xf32> to vector<2048x64xf32>
    %reduce_sum3A = arith.constant dense<0.000000e+00> : vector<2048xf32>
    %reduce_sum3A_3 = vector.multi_reduction <add>, %slice3A, %reduce_sum3A [1] : vector<2048x64xf32> to vector<2048xf32>
    %broadcast_in_dim3A = vector.shape_cast %reduce_sum3A_3 : vector<2048xf32> to vector<2048x1xf32>
    %mul3A = arith.constant 1.562500e-02 : f32
    %mul3A_4 = vector.broadcast %mul3A : f32 to vector<2048x1xf32>
    %mul3A_5 = arith.mulf %broadcast_in_dim3A, %mul3A_4 : vector<2048x1xf32>
    %reduce_sum3A_6 = arith.constant dense<0.000000e+00> : vector<2048xf32>
    %reduce_sum3A_7 = vector.multi_reduction <add>, %slice3A_2, %reduce_sum3A_6 [1] : vector<2048x64xf32> to vector<2048xf32>
    %broadcast_in_dim3A_8 = vector.shape_cast %reduce_sum3A_7 : vector<2048xf32> to vector<2048x1xf32>
    %mul3A_9 = arith.constant 1.562500e-02 : f32
    %mul3A_10 = vector.broadcast %mul3A_9 : f32 to vector<2048x1xf32>
    %mul3A_11 = arith.mulf %broadcast_in_dim3A_8, %mul3A_10 : vector<2048x1xf32>
    %mul3A_12 = arith.mulf %slice3A, %slice3A : vector<2048x64xf32>
    %reduce_sum3A_13 = arith.constant dense<0.000000e+00> : vector<2048xf32>
    %reduce_sum3A_14 = vector.multi_reduction <add>, %mul3A_12, %reduce_sum3A_13 [1] : vector<2048x64xf32> to vector<2048xf32>
    %broadcast_in_dim3A_15 = vector.shape_cast %reduce_sum3A_14 : vector<2048xf32> to vector<2048x1xf32>
    %mul3A_16 = arith.constant 1.562500e-02 : f32
    %mul3A_17 = vector.broadcast %mul3A_16 : f32 to vector<2048x1xf32>
    %mul3A_18 = arith.mulf %broadcast_in_dim3A_15, %mul3A_17 : vector<2048x1xf32>
    %mul3A_19 = arith.mulf %mul3A_5, %mul3A_5 : vector<2048x1xf32>
    %sub3A = arith.subf %mul3A_18, %mul3A_19 : vector<2048x1xf32>
    %mul3A_20 = arith.mulf %slice3A_2, %slice3A_2 : vector<2048x64xf32>
    %reduce_sum3A_21 = arith.constant dense<0.000000e+00> : vector<2048xf32>
    %reduce_sum3A_22 = vector.multi_reduction <add>, %mul3A_20, %reduce_sum3A_21 [1] : vector<2048x64xf32> to vector<2048xf32>
    %broadcast_in_dim3A_23 = vector.shape_cast %reduce_sum3A_22 : vector<2048xf32> to vector<2048x1xf32>
    %mul3A_24 = arith.constant 1.562500e-02 : f32
    %mul3A_25 = vector.broadcast %mul3A_24 : f32 to vector<2048x1xf32>
    %mul3A_26 = arith.mulf %broadcast_in_dim3A_23, %mul3A_25 : vector<2048x1xf32>
    %mul3A_27 = arith.mulf %mul3A_11, %mul3A_11 : vector<2048x1xf32>
    %sub3A_28 = arith.subf %mul3A_26, %mul3A_27 : vector<2048x1xf32>
    %add3A = arith.constant 9.99999974E-6 : f32
    %add3A_29 = vector.broadcast %add3A : f32 to vector<2048x1xf32>
    %add3A_30 = arith.addf %sub3A, %add3A_29 : vector<2048x1xf32>
    %rsqrt3A = math.rsqrt %add3A_30 : vector<2048x1xf32>
    %add3A_31 = arith.constant 9.99999974E-6 : f32
    %add3A_32 = vector.broadcast %add3A_31 : f32 to vector<2048x1xf32>
    %add3A_33 = arith.addf %sub3A_28, %add3A_32 : vector<2048x1xf32>
    %rsqrt3A_34 = math.rsqrt %add3A_33 : vector<2048x1xf32>
    %broadcast_in_dim3A_35 = vector.shape_cast %rsqrt3A : vector<2048x1xf32> to vector<2048x1xf32>
    %broadcast_in_dim3A_36 = vector.broadcast %broadcast_in_dim3A_35 : vector<2048x1xf32> to vector<2048x64xf32>
    %broadcast_in_dim3A_37 = vector.shape_cast %rsqrt3A_34 : vector<2048x1xf32> to vector<2048x1xf32>
    %broadcast_in_dim3A_38 = vector.broadcast %broadcast_in_dim3A_37 : vector<2048x1xf32> to vector<2048x64xf32>
    %concatenate3A = tpu.concatenate %broadcast_in_dim3A_36, %broadcast_in_dim3A_38 in 1 : vector<2048x64xf32>, vector<2048x64xf32> -> vector<2048x128xf32>
    %broadcast_in_dim3A_39 = vector.shape_cast %mul3A_5 : vector<2048x1xf32> to vector<2048x1xf32>
    %broadcast_in_dim3A_40 = vector.broadcast %broadcast_in_dim3A_39 : vector<2048x1xf32> to vector<2048x64xf32>
    %broadcast_in_dim3A_41 = vector.shape_cast %mul3A_11 : vector<2048x1xf32> to vector<2048x1xf32>
    %broadcast_in_dim3A_42 = vector.broadcast %broadcast_in_dim3A_41 : vector<2048x1xf32> to vector<2048x64xf32>
    %concatenate3A_43 = tpu.concatenate %broadcast_in_dim3A_40, %broadcast_in_dim3A_42 in 1 : vector<2048x64xf32>, vector<2048x64xf32> -> vector<2048x128xf32>
    %sub3A_44 = arith.subf %get3A_1, %concatenate3A_43 : vector<2048x128xf32>
    %mul3A_45 = arith.mulf %sub3A_44, %concatenate3A : vector<2048x128xf32>
    %get3A_46 = arith.constant 0 : index
    %get3A_47 = arith.constant 0 : index
    %get3A_48 = vector.load %arg1[%get3A_46, %get3A_47] : memref<1x128xf32, #tpu.memory_space<vmem>>, vector<1x128xf32>
    %mul3A_49 = vector.broadcast %get3A_48 : vector<1x128xf32> to vector<2048x128xf32>
    %mul3A_50 = arith.mulf %mul3A_45, %mul3A_49 : vector<2048x128xf32>
    %get3A_51 = arith.constant 0 : index
    %get3A_52 = arith.constant 0 : index
    %get3A_53 = vector.load %arg2[%get3A_51, %get3A_52] : memref<1x128xf32, #tpu.memory_space<vmem>>, vector<1x128xf32>
    %add3A_54 = vector.broadcast %get3A_53 : vector<1x128xf32> to vector<2048x128xf32>
    %add3A_55 = arith.addf %mul3A_50, %add3A_54 : vector<2048x128xf32>
    %swap3A = arith.constant 0 : index
    %swap3A_56 = arith.constant 0 : index
    %swap3A_57 = vector.load %arg4[%swap3A, %swap3A_56] : memref<2048x128xf32, #tpu.memory_space<vmem>>, vector<2048x128xf32>
    tpu.vector_store %arg4[%swap3A, %swap3A_56], %add3A_55 {strides = array<i32>} : memref<2048x128xf32, #tpu.memory_space<vmem>>, vector<2048x128xf32>,
    return
  }
  func.func @transform_0(%arg0: i32) -> (i32, i32) {
    %c0_i32 = arith.constant 0 : i32
    %c0_i32_0 = arith.constant 0 : i32
    %c0_i32_1 = arith.constant 0 : i32
    return %c0_i32, %c0_i32_0 : i32, i32
  }
  func.func @transform_1(%arg0: i32) -> (i32, i32) {
    %c0_i32 = arith.constant 0 : i32
    %c0_i32_0 = arith.constant 0 : i32
    %c0_i32_1 = arith.constant 0 : i32
    return %c0_i32, %c0_i32_0 : i32, i32
  }
  func.func @transform_2(%arg0: i32) -> (i32, i32) {
    %c0_i32 = arith.constant 0 : i32
    %c0_i32_0 = arith.constant 0 : i32
    return %arg0, %c0_i32 : i32, i32
  }
  func.func @transform_3(%arg0: i32) -> (i32, i32) {
    %c0_i32 = arith.constant 0 : i32
    %c0_i32_0 = arith.constant 0 : i32
    return %arg0, %c0_i32 : i32, i32
  }
}

</mosaic_0001>

<sc_bundles>
// kernel: kernel.4.cloned.1.call-start
scs
__scs_entry_jumppad:
0x0: {  	(pc) =	sbr.rel $0x88, $3  }
0x1: {  	(tag) =	ssettag $0x0;
	lr =	simm.s32 $0x1  }
0x2: {  	[smem:$0x3F9D] =	sst lr;
	_ =	strace $0xD0000000  }
0x3: {  	_ = 	snop  }
0x4: {  	_ = 	snop  }
0x5: {  	_ = 	snop  }
0x6: {  	_ = 	snop  }
0x7: {  	_ = 	snop  }
__scs_overlays_trampoline_lowered:
0x8: {  	[smem:$0x3FAC] =	sst s0  }
0x9: {  	[smem:$0x3FAD] =	sst s1  }
0xa: {  	[smem:$0x3FAE] =	sst s2  }
0xb: {  	[smem:$0x3FAF] =	sst s3  }
0xc: {  	[smem:$0x3FB0] =	sst s4  }
0xd: {  	[smem:$0x3FB1] =	sst s5  }
0xe: {  	[smem:$0x3FB2] =	sst s6  }
0xf: {  	[smem:$0x3FB3] =	sst s7  }
0x10: {  	[smem:$0x3FB4] =	sst s8  }
0x11: {  	[smem:$0x3FB5] =	sst s9;
	s0 =	simm.s32 @!p0 $0x0  }
0x12: {  	s1 =	sld [smem:$0x3F9B];
	s0 =	simm.s32 @p0 $0x1  }
0x13: {  	[smem:$0x3FB6] =	sst s0;
	s0 =	simm.s32 @!p1 $0x0  }
0x14: {  	s2 =	sld [smem:$0x3F9A];
	s0 =	simm.s32 @p1 $0x1  }
0x15: {  	[smem:$0x3FB7] =	sst s0;
	s0 =	simm.s32 @!p2 $0x0  }
0x16: {  	s3 =	sld [smem:$0x3FDB];
	s0 =	simm.s32 @p2 $0x1  }
0x17: {  	s4 =	simm.s32 $0x1BF5;
	[smem:$0x3FB9] =	sst s0  }
0x18: {  	s0 =	sld [smem:$0x3F9C];
	_ =	swait.ge [sflag:s4], $0x0  }
0x19: {  	s7 =	sld [smem:$0x3F9D]  }
0x1a: {  	s8 =	sadd.s32 $0xFFFFE003, lr  }
0x1b: {  	s9 =	sadd.s32 $0xFFFFFEF7, lr;
	s5 =	simm.s32 $0xFFFFFFFF;
	p2 =	slt.u32 s8, $0xFFFFF086  }
0x1c: {  	p1 =	slt.u32 s9, $0xF7A;
	s5 =	simm.s32 @!p2 $0x0  }
0x1d: {  	s5 =	simm.s32 @p1 $0x1;
	p0 =	seq.s32 s7, s2  }
0x1e: {  	s7 =	smul.u32 @!p0 $0xF7A, s2;
	p2 =	seq.s32 @!p0 s5, $0x0  }
0x1f: {  	s9 =	smul.u32 $0xF7A, s1;
	s8 =	simm.s32 @!p0 $0x1BF5;
	p2 =	por !p2, p0  }
0x20: {  	[sflag:s8] =	ssyncset.s32 @!p0 $0xFFFFF086;
	s6 =	sadd.s32 @!p0 s3, s7;
	s7 =	simm.s32 @!p0 $0x108  }
0x21: {  	s3 =	sadd.s32 s3, s9;
	s6 =	sadd.s32 @!p0 $0x88, s6;
	s7 =	simm.s32 @p2 $0x1082  }
0x22: {  	[simem:s7], [sflag:s8] =	dma.local @!p0 [hbm:s6], $0xF7A  }
0x23: {  	s9 =	sor.u32 $0xD0000000, s2;
	s6 =	simm.s32 $0x108;
	_ =	swait.ge @!p0 [sflag:s8], $0x0  }
0x24: {  	s3 =	sadd.s32 $0x88, s3;
	s6 =	simm.s32 @!p1 $0x1082;
	[sflag:s4] =	ssyncset.s32 $0xFFFFF086  }
0x25: {  	[simem:s6], [sflag:s4] =	dma.local [hbm:s3], $0xF7A  }
0x26: {  	[smem:$0x3F9D] =	sst s1;
	(tag) =	ssettag s2;
	_ =	strace s9  }
0x27: {  	s1 =	sld [smem:$0x3FAD]  }
0x28: {  	s2 =	sld [smem:$0x3FAE]  }
0x29: {  	s4 =	sld [smem:$0x3FB0]  }
0x2a: {  	p0 =	seq.s32 s5, $0x0;
	s5 =	sld [smem:$0x3FB1]  }
0x2b: {  	s6 =	sld [smem:$0x3FB2]  }
0x2c: {  	s7 =	sld [smem:$0x3FB3]  }
0x2d: {  	s3 =	simm.s32 $0x108;
	s8 =	sld [smem:$0x3FB4]  }
0x2e: {  	s3 =	simm.s32 @!p0 $0x1082;
	s9 =	sld [smem:$0x3FB5]  }
0x2f: {  	lr =	sadd.s32 s0, s3;
	s0 =	sld [smem:$0x3FAC]  }
0x30: {  	s3 =	sld [smem:$0x3FAF]  }
0x31: {  	[smem:$0x3FB8] =	sst s10  }
0x32: {  	s10 =	sld [smem:$0x3FB6];
	_ =	sdelay $0x3  }
0x33: {  	p0 =	seq.s32 s10, $0x1;
	s10 =	sld [smem:$0x3FB8];
	_ =	sdelay $0x3  }
0x34: {  	[smem:$0x3FB8] =	sst s10  }
0x35: {  	s10 =	sld [smem:$0x3FB7];
	_ =	sdelay $0x3  }
0x36: {  	p1 =	seq.s32 s10, $0x1;
	s10 =	sld [smem:$0x3FB8];
	_ =	sdelay $0x3  }
0x37: {  	[smem:$0x3FB8] =	sst s10  }
0x38: {  	s10 =	sld [smem:$0x3FB9]  }
0x39: {  	_ = 	snop;
	(pc) =	sbr.ind lr, $3  }
0x3a: {  	_ = 	snop  }
0x3b: {  	_ = 	snop  }
0x3c: {  	p2 =	seq.s32 s10, $0x1;
	s10 =	sld [smem:$0x3FB8]  }
0x3d: {  	_ =	shalt  }
0x3e: {  	_ =	shalt  }
0x3f: {  	_ =	shalt  }
0x40: {  	_ =	shalt  }
0x41: {  	_ =	shalt  }
0x42: {  	_ =	shalt  }
0x43: {  	_ =	shalt  }
0x44: {  	_ =	shalt  }
0x45: {  	_ =	shalt  }
0x46: {  	_ =	shalt  }
0x47: {  	_ =	shalt  }
0x48: {  	_ =	shalt  }
0x49: {  	_ =	shalt  }
0x4a: {  	_ =	shalt  }
0x4b: {  	_ =	shalt  }
0x4c: {  	_ =	shalt  }
0x4d: {  	_ =	shalt  }
0x4e: {  	_ =	shalt  }
0x4f: {  	_ =	shalt  }
0x50: {  	_ =	shalt  }
0x51: {  	_ =	shalt  }
0x52: {  	_ =	shalt  }
0x53: {  	_ =	shalt  }
0x54: {  	_ =	shalt  }
0x55: {  	_ =	shalt  }
0x56: {  	_ =	shalt  }
0x57: {  	_ =	shalt  }
0x58: {  	_ =	shalt  }
0x59: {  	_ =	shalt  }
0x5a: {  	_ =	shalt  }
0x5b: {  	_ =	shalt  }
0x5c: {  	_ =	shalt  }
0x5d: {  	_ =	shalt  }
0x5e: {  	_ =	shalt  }
0x5f: {  	_ =	shalt  }
0x60: {  	_ =	shalt  }
0x61: {  	_ =	shalt  }
0x62: {  	_ =	shalt  }
0x63: {  	_ =	shalt  }
0x64: {  	_ =	shalt  }
0x65: {  	_ =	shalt  }
0x66: {  	_ =	shalt  }
0x67: {  	_ =	shalt  }
0x68: {  	_ =	shalt  }
0x69: {  	_ =	shalt  }
0x6a: {  	_ =	shalt  }
0x6b: {  	_ =	shalt  }
0x6c: {  	_ =	shalt  }
0x6d: {  	_ =	shalt  }
0x6e: {  	_ =	shalt  }
0x6f: {  	_ =	shalt  }
0x70: {  	_ =	shalt  }
0x71: {  	_ =	shalt  }
0x72: {  	_ =	shalt  }
0x73: {  	_ =	shalt  }
0x74: {  	_ =	shalt  }
0x75: {  	_ =	shalt  }
0x76: {  	_ =	shalt  }
0x77: {  	_ =	shalt  }
0x78: {  	_ =	shalt  }
0x79: {  	_ =	shalt  }
0x7a: {  	_ =	shalt  }
0x7b: {  	_ =	shalt  }
0x7c: {  	_ =	shalt  }
0x7d: {  	_ =	shalt  }
0x7e: {  	_ =	shalt  }
0x7f: {  	_ =	shalt  }
0x80: {  	_ =	shalt  }
0x81: {  	_ =	shalt  }
0x82: {  	_ =	shalt  }
0x83: {  	_ =	shalt  }
0x84: {  	_ =	shalt  }
0x85: {  	_ =	shalt  }
0x86: {  	_ =	shalt  }
0x87: {  	_ =	shalt  }
.Lfunc_end0:
.L_simem_size_0:
called_computation.1_lowered:
.L_overlay_start_0:
0x88: {  	s2 =	sld [smem:$0x3FD9]  }
0x89: {  	s3 =	sld [smem:$0x3FFE];
	_ =	sdelay $0x1  }
0x8a: {  	s1 =	srdreg.scid  }
0x8b: {  	s0 =	sand.u32 $0x1, s1  }
0x8c: {  	s17 =	sshll.u32 s0, $0xA;
	s2 =	sadd.s32 s3, s2  }
0x8d: {  	s2 =	sadd.s32 s2, s17  }
0x8e: {  	[smem:$0x3FC4] =	sst s2  }
0x8f: {  	_ = 	snop  }
0x90: {  	s2 =	sld [smem:$0x3FD0];
	(tm) =	ssettm $0x1  }
0x91: {  	s18 =	sld [smem:$0x3FFB];
	_ =	sdelay $0x3  }
0x92: {  	_ =	strace s18  }
0x93: {  	s3 =	sld [smem:$0x3FFC];
	_ =	sdelay $0x3  }
0x94: {  	_ =	strace s3  }
0x95: {  	s3 =	sld [smem:$0x3FFD];
	_ =	sdelay $0x3  }
0x96: {  	_ =	strace s3  }
0x97: {  	_ =	strace $0x8FFFFFFF  }
0x98: {  	s19 =	sld [smem:$0x3FDB];
	_ =	sdelay $0x1  }
0x99: {  	s4 =	simm.s32 $_scs_section_size  }
0x9a: {  	s5 =	simm.s32 $_size__tile_overlayer_lowered;
	s6 =	simm.s32 $_tile_overlayer_lowered  }
0x9b: {  	s22 =	simm.s32 $0x1BFF;
	s21 =	sshll.u32 s6, $0x1;
	s3 =	sadd.s32 s4, s19  }
0x9c: {  	s7 =	simm.s32 $0x0;
	s20 =	sshll.u32 s5, $0x1;
	s5 =	sadd.s32 s21, s3  }
0x9d: {  	[timem:s7], [sflag:s22] =	dma.local [hbm:s5], s20  }
0x9e: {  	_ =	swait.ge [sflag:s22], s20  }
0x9f: {  	s4 =	ssub.s32 $0x0, s20;
	[sflag:s22] =	ssyncset.done $0x0  }
0xa0: {  	[sflag:s22] =	ssyncadd.s32 s4;
	_ =	sdelay $0x1  }
0xa1: {  	s23 =	simm.s32 $0x1B8B  }
0xa2: {  	_ =	swait.ge [sflag:s23], $0x1  }
0xa3: {  	[sflag:s23] =	ssyncset.done $0x0  }
0xa4: {  	s25 =	simm.s32 $0x1B8E;
	s24 =	sld [smem:$0x3FFE];
	[sflag:s23] =	ssyncadd.s32 $0xFFFFFFFF  }
0xa5: {  	s26 =	simm.s32 $execute0_lowered;
	[smem:$0x3FD2] =	sst s25  }
0xa6: {  	s5 =	sshll.u32 s26, $0x1;
	_ =	strace $0x80000046;
	[dreg:$0x1] =	wrdreg $0xFFFFFFFF  }
0xa7: {  	s28 =	simm.s32 $_size_execute0_lowered;
	s3 =	sadd.s32 s3, s5;
	[dreg:$0x0] =	wrdreg $0x0  }
0xa8: {  	s5 =	sshll.u32 s28, $0x1;
	[dreg:$0x2] =	wrdreg s3  }
0xa9: {  	[dreg:$0x3] =	wrdreg s5  }
0xaa: {  	[dreg:$0x4] =	wrdreg $0xC0  }
0xab: {  	_ =	task [dreg:s7], $0x5FFFF  }
0xac: {  	[dreg:$0x1] =	wrdreg $0xFFFFFFFF  }
0xad: {  	[dreg:$0x0] =	wrdreg $0x60  }
0xae: {  	[dreg:$0x2] =	wrdreg s2  }
0xaf: {  	[dreg:$0x3] =	wrdreg s24  }
0xb0: {  	[dreg:$0x4] =	wrdreg $0x9  }
0xb1: {  	_ =	task.clear_ibuf [dreg:s7], $0x5FFFF;
	_ =	strace $0x90000046  }
0xb2: {  	s29 =	simm.s32 $0x9;
	_ =	strace $0x80000048  }
0xb3: {  	_ =	swait.ge [sflag:s29], $0x1  }
0xb4: {  	[sflag:s29] =	ssyncadd.s32 $0xFFFFFFFF  }
0xb5: {  	_ =	strace $0x90000048  }
0xb6: {  	_ =	sfence  }
0xb7: {  	s30 =	sld [smem:$0x0];
	_ =	sdelay $0x2  }
0xb8: {  	s31 =	sshll.u32 s1, $0xD;
	s1 =	sshrl.u32 s1, $0x2  }
0xb9: {  	s3 =	sand.u32 $0x4000, s31;
	s1 =	sadd.s32 s1, s30  }
0xba: {  	s0 =	sor.u32 s3, s0;
	s1 =	sshll.u32 s1, $0x11  }
0xbb: {  	s0 =	sor.u32 s1, s0  }
0xbc: {  	s0 =	sadd.s32 $0x8F2B, s0  }
0xbd: {  	[sflag:s0] =	ssyncadd.remote.s32 $0x1  }
0xbe: {  	_ =	sfence.sel $0xFFFF  }
0xbf: {  	[dreg:$0x0] =	wrdreg $0xFFFFFFFF;
	(pc) =	sbr.abs _section_cstart, $3  }
0xc0: {  	[dreg:$0x1] =	wrdreg $0xFFFFFFFF  }
0xc1: {  	_ =	task.clear_ibuf [dreg:s7], $0x2FFFF;
	_ =	strace $0x9FFFFFFF  }
0xc2: {  	(tm) =	ssettm $0x7FFFFFFF  }
0xc3: {  	_ =	shalt  }
tec
execute0_lowered:
.L_overlay_start_1:
0x0: {  	(tag) =	ssettag $0x1  }
0x1: {  	s1 =	srdreg.scid;
	s4 =	rddreg [dreg:$0x0]  }
0x2: {  	s0 =	stileid.u32;
	s5 =	rddreg [dreg:$0x1];
	s13 =	simm.s32 $0xA400  }
0x3: {  	s15 =	simm.s32 $0xE400;
	s16 =	simm.s32 $0x1;
	s17 =	simm.s32 $0x12400  }
0x4: {  	s18 =	simm.s32 $0x2;
	s19 =	simm.s32 $0x3;
	s20 =	simm.s32 $0x4  }
0x5: {  	s21 =	simm.s32 $0x5;
	s22 =	simm.s32 $0x6;
	s23 =	simm.s32 $0x7  }
0x6: {  	s24 =	simm.s32 $0x8;
	s25 =	simm.s32 $0x0;
	s7 =	smul.u32 $0x320000, s0  }
0x7: {  	s1 =	sand.u32 $0x1, s1;
	s2 =	sshll.u32 s0, $0x1;
	s8 =	smul.u32 $0xC800, s0  }
0x8: {  	s3 =	sadd.s32 $0xF43200, s5;
	s12 =	sadd.s32 $0xE00, s5;
	s10 =	smul.u32 $0x6400, s1  }
0x9: {  	s2 =	sor.u32 s1, s2;
	s9 =	ssub.s32 $0x2, s1;
	s1 =	smul.u32 $0x190000, s1  }
0xa: {  	s6 =	smul.u32 $0x6400, s2;
	s2 =	simm.s32 $0x0;
	s11 =	sshrl.u32 s9, $0x1  }
0xb: {  	[smem:$0x7FF] =	sst s2;
	s26 =	ssub.s32 s9, s11;
	s8 =	sadd.s32 s10, s8  }
0xc: {  	s1 =	sadd.s32 s1, s7;
	s10 =	simm.s32 $0x9;
	s11 =	simm.s32 $0x100  }
.Ltmp0:
0xd: {  	_ =	strace $0x80000047;
	s6 =	sshrl.u32 s6, $0x3;
	(pc) =	sbr.rel .LBB2_1-.Ltmp0, $4  }
0xe: {  	s28 =	sshll.u32 s8, $0x3;
	s1 =	sshrl.u32 s1, $0x3;
	s31 =	smax.u32 s26, $0x1  }
0xf: {  	s29 =	sadd.s32 s4, s6;
	s30 =	sadd.s32 s28, s12;
	[dreg:$0x4] =	wrdreg s31  }
0x10: {  	s6 =	sadd.s32 s1, s12;
	s12 =	simm.s32 $0x6400;
	[dreg:$0x3] =	wrdreg s29  }
0x11: {  	s7 =	sadd.s32 $0x1000, s30;
	s8 =	sadd.s32 $0x800, s30;
	s9 =	sadd.s32 $0x1800, s30  }
.LBB2_4:
0x12: {  	_ =	swait.ge [sflag:s21], $0x4000  }
0x13: {  	[sflag:s21] =	ssyncset.done $0x0  }
0x14: {  	[sflag:s21] =	ssyncadd.s32 $0xFFFFC000  }
0x15: {  	_ =	swait.ge [sflag:s22], $0x4000  }
0x16: {  	[sflag:s22] =	ssyncset.done $0x0  }
0x17: {  	[sflag:s22] =	ssyncadd.s32 $0xFFFFC000  }
0x18: {  	_ =	swait.ge [sflag:s23], $0x4000  }
0x19: {  	[sflag:s23] =	ssyncset.done $0x0  }
0x1a: {  	[sflag:s23] =	ssyncadd.s32 $0xFFFFC000  }
0x1b: {  	_ =	swait.ge [sflag:s24], $0x4000  }
0x1c: {  	s25 =	sadd.s32 $0x1, s25;
	s0 =	rddreg [dreg:$0x4]  }
0x1d: {  	p0 =	sne.s32 s25, s0  }
.Ltmp1:
0x1e: {  	_ = 	snop;
	(pc) =	sbr.rel @!p0 .LBB2_5-.Ltmp1, $3  }
0x1f: {  	_ =	sdelay $0x1  }
0x20: {  	[sflag:s24] =	ssyncset.done $0x0  }
0x21: {  	[sflag:s24] =	ssyncadd.s32 $0xFFFFC000  }
.LBB2_1:
0x22: {  	s0 =	rddreg [dreg:$0x3]  }
0x23: {  	[tilespmem:s2], [sflag:$0x9] =	stream.linear.gather [hbm4b:s0+s2], $0x6400, $0x38;
	[tilespmem:$0x16400] =	vst v63  }
0x24: {  	_ =	swait.ge [sflag:s10], $0x6400  }
0x25: {  	[sflag:s10] =	ssyncset.done $0x0  }
0x26: {  	[sflag:s10] =	ssyncadd.s32 $0xFFFF9C00  }
0x27: {  	[tilespmem:s12], [sflag:$0x1] =	stream.indirect.gather [hbm4b:s3+s11], $0x40, s2, s11, $0xb8;
	[tilespmem:$0x16400] =	vst v63  }
0x28: {  	_ = 	snop  }
0x29: {  	[tilespmem:s13], [sflag:$0x2] =	stream.indirect.gather [hbm4b:s3+s11], $0x40, s11, s11, $0xb8;
	[tilespmem:$0x16400] =	vst v63  }
0x2a: {  	s26 =	simm.s32 $0x200;
	s28 =	smov.u32 s8;
	s29 =	smov.u32 s7  }
0x2b: {  	[tilespmem:s15], [sflag:$0x3] =	stream.indirect.gather [hbm4b:s3+s11], $0x40, s26, s11, $0xb8;
	[tilespmem:$0x16400] =	vst v63  }
0x2c: {  	s30 =	smov.u32 s6;
	s31 =	simm.s32 $0x0;
	s26 =	smov.u32 s9  }
.LBB2_2:
0x2d: {  	_ =	swait.ge [sflag:s16], $0x4000  }
0x2e: {  	p0 =	seq.s32 s31, $0x0;
	[sflag:s16] =	ssyncset.done $0x0  }
0x2f: {  	s0 =	simm.s32 @!p0 $0x8;
	[sflag:s16] =	ssyncadd.s32 $0xFFFFC000  }
0x30: {  	[hbm4b:s30+s2] =	stream.linear.scatter [tilespmem:s12], [sflag:$0x5], $0x4000, $0x38;
	[tilespmem:$0x16400] =	vst v63  }
0x31: {  	_ =	swait.ge @!p0 [sflag:s0], $0x4000  }
0x32: {  	s1 =	sshra.s32 s31, $0x2;
	[sflag:s0] =	ssyncset.done @!p0 $0x0  }
0x33: {  	s14 =	sadd.s32 $0x300, s1;
	[sflag:s0] =	ssyncadd.s32 @!p0 $0xFFFFC000  }
0x34: {  	[tilespmem:s17], [sflag:$0x4] =	stream.indirect.gather [hbm4b:s3+s11], $0x40, s14, s11, $0xb8;
	[tilespmem:$0x16400] =	vst v63  }
0x35: {  	_ =	swait.ge [sflag:s18], $0x4000  }
0x36: {  	p0 =	seq.s32 s31, $0x18000;
	[sflag:s18] =	ssyncset.done $0x0  }
0x37: {  	s0 =	simm.s32 @!p0 $0x5;
	[sflag:s18] =	ssyncadd.s32 $0xFFFFC000  }
0x38: {  	[hbm4b:s28+s2] =	stream.linear.scatter [tilespmem:s13], [sflag:$0x6], $0x4000, $0x38;
	[tilespmem:$0x16400] =	vst v63  }
0x39: {  	_ =	swait.ge @!p0 [sflag:s0], $0x4000  }
0x3a: {  	[sflag:s0] =	ssyncset.done @!p0 $0x0  }
0x3b: {  	[sflag:s0] =	ssyncadd.s32 @!p0 $0xFFFFC000;
	s0 =	sshra.s32 @!p0 s31, $0x2  }
0x3c: {  	s4 =	simm.s32 @!p0 $0x100;
	s5 =	simm.s32 @!p0 $0x6400;
	s14 =	sadd.s32 @!p0 $0x400, s0  }
0x3d: {  	[tilespmem:s5], [sflag:$0x1] =	stream.indirect.gather @!p0 [hbm4b:s3+s4], $0x40, s14, s4, $0xb8;
	[tilespmem:$0x16400] =	vst v63  }
0x3e: {  	_ =	swait.ge [sflag:s19], $0x4000  }
0x3f: {  	[sflag:s19] =	ssyncset.done $0x0  }
0x40: {  	s5 =	simm.s32 @!p0 $0x6;
	[sflag:s19] =	ssyncadd.s32 $0xFFFFC000  }
0x41: {  	[hbm4b:s29+s2] =	stream.linear.scatter [tilespmem:s15], [sflag:$0x7], $0x4000, $0x38;
	[tilespmem:$0x16400] =	vst v63  }
0x42: {  	_ =	swait.ge @!p0 [sflag:s5], $0x4000  }
0x43: {  	[sflag:s5] =	ssyncset.done @!p0 $0x0  }
0x44: {  	s0 =	sadd.s32 @!p0 $0x500, s0;
	[sflag:s5] =	ssyncadd.s32 @!p0 $0xFFFFC000;
	s5 =	simm.s32 @!p0 $0xA400  }
0x45: {  	[tilespmem:s5], [sflag:$0x2] =	stream.indirect.gather @!p0 [hbm4b:s3+s4], $0x40, s0, s4, $0xb8;
	[tilespmem:$0x16400] =	vst v63  }
.Ltmp2:
0x46: {  	_ = 	snop;
	(pc) =	sbr.rel @p0 .LBB2_4-.Ltmp2, $4  }
0x47: {  	_ =	swait.ge [sflag:s20], $0x4000  }
0x48: {  	[sflag:s20] =	ssyncset.done $0x0  }
0x49: {  	[sflag:s20] =	ssyncadd.s32 $0xFFFFC000  }
0x4a: {  	[hbm4b:s26+s2] =	stream.linear.scatter [tilespmem:s17], [sflag:$0x8], $0x4000, $0x38;
	[tilespmem:$0x16400] =	vst v63  }
.Ltmp3:
0x4b: {  	(pc) =	sbr.rel .LBB2_2-.Ltmp3, $4  }
0x4c: {  	_ =	swait.ge [sflag:s23], $0x4000;
	s0 =	sadd.s32 $0x600, s1;
	s31 =	sadd.s32 $0x1000, s31  }
0x4d: {  	s30 =	sadd.s32 $0x2000, s30;
	s29 =	sadd.s32 $0x2000, s29;
	[sflag:s23] =	ssyncset.done $0x0  }
0x4e: {  	s28 =	sadd.s32 $0x2000, s28;
	s26 =	sadd.s32 $0x2000, s26;
	[sflag:s23] =	ssyncadd.s32 $0xFFFFC000  }
0x4f: {  	[tilespmem:s15], [sflag:$0x3] =	stream.indirect.gather [hbm4b:s3+s11], $0x40, s0, s11, $0xb8;
	[tilespmem:$0x16400] =	vst v63  }
.LBB2_5:
0x50: {  	_ =	sfence.sel $0x180000  }
0x51: {  	[bflag:$0x0] =	sbarrier.arrive $0xFFFF  }
0x52: {  	_ =	strace $0x90000047  }
0x53: {  	s0 =	stileid.u32;
	[bflag:$0x2] =	sbarrier.arrive $0xFFFF  }
0x54: {  	p0 =	sne.s32 s0, $0x0;
	s0 =	rddreg [dreg:$0x2]  }
0x55: {  	s0 =	sadd.s32 @!p0 $0x100000, s0  }
0x56: {  	[sflag:s0] =	ssyncadd.tile.s32 @!p0 $0x1;
	_ =	shalt  }
.Lfunc_end2:
_tile_overlayer_lowered:
.L_overlay_start_2:
0x57: {  	(tag) =	ssettag $0x2  }
0x58: {  	s0 =	rddreg [dreg:$0x0];
	s2 =	stileid.u32  }
0x59: {  	s1 =	rddreg [dreg:$0x1];
	p0 =	sne.s32 s2, $0x0  }
0x5a: {  	s3 =	rddreg [dreg:$0x2];
	[bflag:$0x3] =	sbarrier.arrive $0xFFFF;
	s2 =	simm.s32 @!p0 $0x1C09  }
0x5b: {  	[timem:s3], [sflag:s2] =	dma.local @!p0 [hbm:s0], s1  }
0x5c: {  	s0 =	simm.s32 @!p0 $0x9  }
0x5d: {  	_ =	swait.ge @!p0 [sflag:s0], s1  }
0x5e: {  	s1 =	ssub.s32 @!p0 $0x0, s1;
	[sflag:s0] =	ssyncset.done @!p0 $0x0  }
0x5f: {  	[sflag:s0] =	ssyncadd.s32 @!p0 s1  }
0x60: {  	[bflag:$0x3] =	sbarrier.arrive $0xFFFF  }
0x61: {  	_ =	shalt  }

// kernel: sparse-core-data-format-call.cloned.1.call-start
scs
called_computation_lowered:
.L_overlay_start_0:
0x0: {  	s2 =	sld [smem:$0x3FD9]  }
0x1: {  	s3 =	sld [smem:$0x3FFE];
	_ =	sdelay $0x1  }
0x2: {  	s1 =	srdreg.scid  }
0x3: {  	s0 =	sand.u32 $0x1, s1  }
0x4: {  	s18 =	sshll.u32 s0, $0xA;
	s2 =	sadd.s32 s3, s2  }
0x5: {  	s2 =	sadd.s32 s2, s18  }
0x6: {  	[smem:$0x3FC4] =	sst s2  }
0x7: {  	_ = 	snop  }
0x8: {  	s2 =	sld [smem:$0x3FD0];
	(tm) =	ssettm $0x1  }
0x9: {  	s19 =	sld [smem:$0x3FFB];
	_ =	sdelay $0x3  }
0xa: {  	_ =	strace s19  }
0xb: {  	s3 =	sld [smem:$0x3FFC];
	_ =	sdelay $0x3  }
0xc: {  	_ =	strace s3  }
0xd: {  	s3 =	sld [smem:$0x3FFD];
	_ =	sdelay $0x3  }
0xe: {  	_ =	strace s3  }
0xf: {  	_ =	strace $0x8FFFFFFF  }
0x10: {  	s20 =	sld [smem:$0x3FDB];
	_ =	sdelay $0x1  }
0x11: {  	s4 =	simm.s32 $_scs_section_size  }
0x12: {  	s5 =	simm.s32 $_size__tile_overlayer_lowered;
	s6 =	simm.s32 $_tile_overlayer_lowered  }
0x13: {  	s23 =	simm.s32 $0x1BFF;
	s22 =	sshll.u32 s6, $0x1;
	s3 =	sadd.s32 s4, s20  }
0x14: {  	s7 =	simm.s32 $0x0;
	s21 =	sshll.u32 s5, $0x1;
	s5 =	sadd.s32 s22, s3  }
0x15: {  	[timem:s7], [sflag:s23] =	dma.local [hbm:s5], s21  }
0x16: {  	_ =	swait.ge [sflag:s23], s21  }
0x17: {  	s4 =	ssub.s32 $0x0, s21;
	[sflag:s23] =	ssyncset.done $0x0  }
0x18: {  	[sflag:s23] =	ssyncadd.s32 s4;
	_ =	sdelay $0x1  }
0x19: {  	s24 =	simm.s32 $0x1B8B  }
0x1a: {  	_ =	swait.ge [sflag:s24], $0x1  }
0x1b: {  	[sflag:s24] =	ssyncset.done $0x0  }
0x1c: {  	s26 =	simm.s32 $0x1B8E;
	s25 =	sld [smem:$0x3FFE];
	[sflag:s24] =	ssyncadd.s32 $0xFFFFFFFF  }
0x1d: {  	s27 =	simm.s32 $execute0_lowered;
	[smem:$0x3FD2] =	sst s26  }
0x1e: {  	s5 =	sshll.u32 s27, $0x1;
	_ =	strace $0x80000049;
	[dreg:$0x1] =	wrdreg $0xFFFFFFFF  }
0x1f: {  	s28 =	simm.s32 $_size_execute0_lowered;
	s3 =	sadd.s32 s3, s5;
	[dreg:$0x0] =	wrdreg $0x0  }
0x20: {  	s5 =	sshll.u32 s28, $0x1;
	[dreg:$0x2] =	wrdreg s3  }
0x21: {  	[dreg:$0x3] =	wrdreg s5  }
0x22: {  	[dreg:$0x4] =	wrdreg $0xC0  }
0x23: {  	_ =	task [dreg:s7], $0x5FFFF  }
0x24: {  	[dreg:$0x1] =	wrdreg $0xFFFFFFFF  }
0x25: {  	[dreg:$0x0] =	wrdreg $0x60  }
0x26: {  	[dreg:$0x2] =	wrdreg s25  }
0x27: {  	[dreg:$0x3] =	wrdreg s2  }
0x28: {  	[dreg:$0x4] =	wrdreg $0x9  }
0x29: {  	_ =	task.clear_ibuf [dreg:s7], $0x5FFFF;
	_ =	strace $0x90000049  }
0x2a: {  	s29 =	simm.s32 $0x9;
	_ =	strace $0x8000004B  }
0x2b: {  	_ =	swait.ge [sflag:s29], $0x1  }
0x2c: {  	[sflag:s29] =	ssyncadd.s32 $0xFFFFFFFF  }
0x2d: {  	_ =	strace $0x9000004B  }
0x2e: {  	_ =	sfence  }
0x2f: {  	s30 =	sld [smem:$0x0];
	_ =	sdelay $0x2  }
0x30: {  	s31 =	sshll.u32 s1, $0xD;
	s1 =	sshrl.u32 s1, $0x2  }
0x31: {  	s3 =	sand.u32 $0x4000, s31;
	s1 =	sadd.s32 s1, s30  }
0x32: {  	s0 =	sor.u32 s3, s0;
	s1 =	sshll.u32 s1, $0x11  }
0x33: {  	s0 =	sor.u32 s1, s0  }
0x34: {  	s0 =	sadd.s32 $0x8F2B, s0  }
0x35: {  	[sflag:s0] =	ssyncadd.remote.s32 $0x1  }
0x36: {  	_ =	sfence.sel $0xFFFF  }
0x37: {  	[dreg:$0x0] =	wrdreg $0xFFFFFFFF;
	(pc) =	sbr.abs _section_cstart, $3  }
0x38: {  	[dreg:$0x1] =	wrdreg $0xFFFFFFFF  }
0x39: {  	_ =	task.clear_ibuf [dreg:s7], $0x2FFFF;
	_ =	strace $0x9FFFFFFF  }
0x3a: {  	(tm) =	ssettm $0x7FFFFFFF  }
0x3b: {  	_ =	shalt  }
tec
execute0_lowered:
.L_overlay_start_1:
0x0: {  	(tag) =	ssettag $0x1  }
0x1: {  	s0 =	srdreg.scid  }
0x2: {  	s1 =	sshll.u32 s0, $0x4  }
0x3: {  	s0 =	stileid.u32;
	s1 =	sand.u32 $0x10, s1  }
0x4: {  	s1 =	sor.u32 s0, s1  }
0x5: {  	s6 =	rddreg [dreg:$0x0];
	s4 =	simm.s32 $0x1;
	s2 =	sshll.u32 s1, $0x7  }
0x6: {  	s7 =	simm.s32 $0x2;
	s12 =	simm.s32 $0x0;
	s1 =	ssub.s32 $0x1000, s2  }
0x7: {  	s8 =	simm.s32 $0x8000;
	s13 =	simm.s32 $0x0;
	s3 =	sand.u32 $0xF80, s1  }
0x8: {  	s9 =	simm.s32 $0x0;
	s5 =	sshrl.u32 s1, $0xC;
	p0 =	sne.s32 s3, $0x0  }
.Ltmp0:
0x9: {  	s1 =	rddreg [dreg:$0x2];
	s4 =	simm.s32 @!p0 $0x0;
	(pc) =	sbr.rel .LBB1_1-.Ltmp0, $4  }
0xa: {  	s11 =	simm.s32 $0x0;
	s3 =	rddreg [dreg:$0x1];
	s5 =	sadd.s32 s4, s5  }
0xb: {  	_ =	strace $0x8000004A;
	s4 =	simm.s32 $0x1;
	s5 =	smul.u32 $0xC8, s5  }
0xc: {  	s6 =	sadd.s32 $0xE00, s6;
	s10 =	smov.u32 s2;
	[sflag:s4] =	ssyncpa.u1 $0x0  }
0xd: {  	p0 =	por $0x0, $0x0;
	[sflag:s7] =	ssyncpa.u1 $0x0;
	s7 =	sor.u32 $0x1, s5  }
.LBB1_4:
0xe: {  	s16 =	sshll.u32 s13, $0x3;
	s17 =	sand.u32 $0x78, s13  }
0xf: {  	s30 =	sand.u32 $0x7E00, s13;
	s12 =	sshll.u32 s12, $0xF;
	s16 =	sand.u32 $0xC00, s16  }
0x10: {  	[tilespmem:s15+$0x810 ss:$0x81] =	vst.msk $0xffff, v2;
	s31 =	sand.u32 $0x7, s13;
	s16 =	sor.u32 s17, s16;
	s17 =	sadd.s32 s3, s30  }
0x11: {  	[tilespmem:s15+$0x1020 ss:$0x81] =	vst.msk $0xffff, v0;
	s13 =	sshll.u32 s31, $0x12;
	s12 =	sadd.s32 s12, s17;
	s16 =	sshrl.u32 s16, $0x3  }
0x12: {  	[tilespmem:s15+$0x0 ss:$0x81] =	vst.msk $0xffff, v1;
	s13 =	sor.u32 $0x400, s13;
	s12 =	sadd.s32 s16, s12  }
0x13: {  	[hbm4b:s12+s13] =	stream.strided.scatter [tilespmem:s14], [sflag:$0x2], $0x2000, s8, s13, $0x20;
	[tilespmem:$0x8080] =	vst v63  }
.LBB1_5:
0x14: {  	s14 =	sadd.s32 $0x1, s9  }
0x15: {  	s12 =	sadd.s32 $0x1000, s10;
	s16 =	smov.u32 s10;
	p2 =	sgt.s32 s14, $0xC7  }
0x16: {  	s16 =	smov.u32 @p2 s12  }
0x17: {  	s14 =	simm.s32 @p2 $0x0;
	p2 =	sgt.s32 s16, $0xFFF  }
0x18: {  	s16 =	smov.u32 @p2 s2;
	p2 =	sne.s32 s11, s7  }
.Ltmp1:
0x19: {  	p1 =	slt.u32 s11, $0x2;
	(pc) =	sbr.rel @!p2 .LBB1_6-.Ltmp1, $4  }
0x1a: {  	s15 =	simm.s32 @!p1 $0x2  }
0x1b: {  	s13 =	smov.u32 s10;
	p0 =	por !p0, !p0;
	_ =	swait.ge @!p1 [sflag:s15], $0x2000  }
0x1c: {  	s12 =	smov.u32 s9;
	[sflag:s15] =	ssyncset.done @!p1 $0x0;
	s9 =	smov.u32 s14  }
0x1d: {  	s11 =	sadd.s32 $0x1, s11;
	[sflag:s15] =	ssyncadd.s32 @!p1 $0xFFFFE000;
	s10 =	smov.u32 s16  }
.LBB1_1:
0x1e: {  	p1 =	sge.u32 s11, s5  }
0x1f: {  	s14 =	sand.u32 @!p1 $0x1FFFFFF, s9  }
0x20: {  	s15 =	smulhi.u32 @!p1 $0x147AE15, s14;
	_ =	sdelay $0x1  }
0x21: {  	s15 =	smul.u32 @!p1 $0xC8, s15  }
0x22: {  	s16 =	sxor.u32 @!p1 $0xFFFFFFFF, s11;
	s17 =	smul.u32 @!p1 $0xC80, s10  }
0x23: {  	s31 =	sadd.s32 $0xFFFFFFFF, s11;
	s16 =	sshll.u32 @!p1 s16, $0xD;
	s14 =	ssub.s32 @!p1 s14, s15  }
0x24: {  	s15 =	sand.u32 @!p1 $0x2000, s16;
	s16 =	sadd.s32 @!p1 s6, s17;
	s14 =	sshll.u32 @!p1 s14, $0x4  }
0x25: {  	s17 =	simm.s32 @!p1 $0x6400;
	s14 =	sadd.s32 @!p1 s14, s16;
	s16 =	simm.s32 @!p1 $0x40  }
0x26: {  	[tilespmem:s15], [sflag:$0x1] =	stream.strided.gather @!p1 [hbm4b:s14+s16], $0x2000, s17, s16, $0x38;
	[tilespmem:$0x8080] =	vst v63  }
0x27: {  	p1 =	sge.u32 s31, s5  }
.Ltmp2:
0x28: {  	_ = 	snop;
	(pc) =	sbr.rel @p1 .LBB1_5-.Ltmp2, $1  }
0x29: {  	_ =	sdelay $0x3  }
0x2a: {  	s14 =	simm.s32 $0x1  }
0x2b: {  	_ =	swait.ge [sflag:s4], $0x2000;
	s14 =	simm.s32 @!p0 $0x0  }
0x2c: {  	[sflag:s4] =	ssyncset.done $0x0;
	s15 =	sshll.u32 s14, $0xD  }
0x2d: {  	[sflag:s4] =	ssyncadd.s32 $0xFFFFE000;
	s18 =	sor.u32 $0x20, s15  }
0x2e: {  	s14 =	smul.u32 $0x8100, s14;
	v3 =	vld [tilespmem:s18+$0x10]  }
0x2f: {  	s30 =	sand.u32 $0x1, s11;
	v2 =	vld [tilespmem:s18+$0xFFFFFFF0]  }
0x30: {  	s15 =	smul.u32 $0x8100, s30;
	s14 =	sshrl.u32 s14, $0x2;
	v0 =	vld [tilespmem:s18+$0x0]  }
0x31: {  	v1 =	vld [tilespmem:s18+$0xFFFFFFE0];
	s16 =	sor.u32 $0x4000, s14  }
0x32: {  	s31 =	sshrl.u32 s15, $0x2;
	s15 =	sadd.s32 $0x0, s16  }
0x33: {  	s17 =	simm.s32 $0x4;
	s18 =	sadd.s32 $0x40, s18;
	s14 =	sor.u32 $0x4000, s31;
	[tilespmem:s15+$0x1830 ss:$0x81] =	vst.msk $0xffff, v3  }
.LBB1_3:
0x34: {  	v3 =	vld [tilespmem:s18+$0x10];
	p1 =	sne.s32 s17, $0x1FC;
	[tilespmem:s15+$0x810 ss:$0x81] =	vst.msk $0xffff, v2;
	s19 =	smov.u32 s17;
	s17 =	sadd.s32 $0x4, s17  }
.Ltmp3:
0x35: {  	v2 =	vld [tilespmem:s18+$0xFFFFFFF0];
	[tilespmem:s15+$0x1020 ss:$0x81] =	vst.msk $0xffff, v0;
	(pc) =	sbr.rel @p1 .LBB1_3-.Ltmp3, $4  }
0x36: {  	v0 =	vld [tilespmem:s18+$0x0];
	[tilespmem:s15+$0x0 ss:$0x81] =	vst.msk $0xffff, v1  }
0x37: {  	s15 =	sshra.s32 s19, $0x2;
	v1 =	vld [tilespmem:s18+$0xFFFFFFE0]  }
0x38: {  	s15 =	sadd.s32 s15, s16  }
0x39: {  	s18 =	sadd.s32 $0x40, s18;
	[tilespmem:s15+$0x1830 ss:$0x81] =	vst.msk $0xffff, v3  }
.Ltmp4:
0x3a: {  	_ = 	snop;
	(pc) =	sbr.rel .LBB1_4-.Ltmp4, $1  }
0x3b: {  	_ =	sdelay $0x3  }
.LBB1_6:
0x3c: {  	_ =	sfence.sel $0x180000  }
0x3d: {  	s2 =	simm.s32 $0x1;
	[bflag:$0x0] =	sbarrier.arrive $0xFFFF  }
0x3e: {  	s31 =	simm.s32 $0x2;
	[sflag:s2] =	ssyncpa.u1 $0x1  }
0x3f: {  	[sflag:s31] =	ssyncpa.u1 $0x1  }
0x40: {  	p0 =	sne.s32 s0, $0x0;
	_ =	strace $0x9000004A  }
0x41: {  	s0 =	sadd.s32 @!p0 $0x100000, s1;
	[bflag:$0x2] =	sbarrier.arrive $0xFFFF  }
0x42: {  	[sflag:s0] =	ssyncadd.tile.s32 @!p0 $0x1;
	_ =	shalt  }
.Lfunc_end1:
_tile_overlayer_lowered:
.L_overlay_start_2:
0x43: {  	(tag) =	ssettag $0x2  }
0x44: {  	s0 =	rddreg [dreg:$0x0];
	s2 =	stileid.u32  }
0x45: {  	s1 =	rddreg [dreg:$0x1];
	p0 =	sne.s32 s2, $0x0  }
0x46: {  	s3 =	rddreg [dreg:$0x2];
	[bflag:$0x3] =	sbarrier.arrive $0xFFFF;
	s2 =	simm.s32 @!p0 $0x1C01  }
0x47: {  	[timem:s3], [sflag:s2] =	dma.local @!p0 [hbm:s0], s1  }
0x48: {  	s0 =	simm.s32 @!p0 $0x1  }
0x49: {  	_ =	swait.ge @!p0 [sflag:s0], s1  }
0x4a: {  	s1 =	ssub.s32 @!p0 $0x0, s1;
	[sflag:s0] =	ssyncset.done @!p0 $0x0  }
0x4b: {  	[sflag:s0] =	ssyncadd.s32 @!p0 s1  }
0x4c: {  	[bflag:$0x3] =	sbarrier.arrive $0xFFFF  }
0x4d: {  	_ =	shalt  }

</sc_bundles>
